<compile_context>
chip_gen: v7x
topology: tpu7x:2x2x1
jax: 0.10.2.dev20260603
libtpu: 0.0.44.dev20260713+nightly
codegen_flags: <defaults>
</compile_context>

<pallas_src>
import functools

import jax
import jax.numpy as jnp
from jax import lax
from jax.experimental import pallas as pl
from jax.experimental.pallas import tpu as pltpu
from jax.experimental.pallas import tpu_sc as plsc

A = 4096
HALF = A // 2
C = 4096
FILLW = 65536
ROWS_PER_TILE = HALF // 16
NEG_INF = float("-inf")


def _body(row_hbm, col_hbm, val_hbm, tr_hbm, tc_hbm, tv_hbm, out_hbm,
          fillbuf, rows_v, cols_v, vals_v, sidx, sval, sem_a, sem_b):
    N = row_hbm.shape[0]
    cid = lax.axis_index("c")
    sid = lax.axis_index("s")

    def fb(i, carry):
        fillbuf[pl.ds(i * 16, 16)] = jnp.full((16,), NEG_INF, jnp.float32)
        return carry
    lax.fori_loop(0, FILLW // 16, fb, 0)

    row0 = cid * HALF + sid * ROWS_PER_TILE
    base = row0 * A
    fills = [
        pltpu.async_copy(
            fillbuf, out_hbm.at[pl.ds(base + j * FILLW, FILLW)], sem_a)
        for j in range(ROWS_PER_TILE * A // FILLW)
    ]
    for h in fills:
        h.wait()

    def db(j, carry):
        lane = jnp.arange(16, dtype=jnp.int32)
        r = jnp.broadcast_to((row0 + j * 16).astype(jnp.int32), (16,)) + lane
        sidx[0, pl.ds(j * 16, 16)] = r * (A + 1)
        sval[0, pl.ds(j * 16, 16)] = jnp.full((16,), 1.0, jnp.float32)
        return carry
    lax.fori_loop(0, ROWS_PER_TILE // 16, db, 0)
    pltpu.async_copy(sval.at[0], out_hbm.at[sidx.at[0]], sem_b).wait()

    plsc.subcore_barrier()

    dump = cid * HALF * A + cid * HALF
    dump_v = jnp.broadcast_to(dump.astype(jnp.int32), (16,))
    cid_v = jnp.broadcast_to(cid.astype(jnp.int32), (16,))
    ones_v = jnp.full((16,), 1.0, jnp.float32)
    nch = -(-N // C)
    cpt = -(-nch // 16)

    def chunk(k, carry):
        s = pl.multiple_of(
            jnp.bitwise_and(jnp.minimum((sid * cpt + k) * C, N - C), -8), 8)
        h1 = pltpu.async_copy(row_hbm.at[pl.ds(s, C)], rows_v, sem_a)
        h2 = pltpu.async_copy(col_hbm.at[pl.ds(s, C)], cols_v, sem_a)
        h3 = pltpu.async_copy(val_hbm.at[pl.ds(s, C)], vals_v, sem_a)
        h1.wait(); h2.wait(); h3.wait()

        def jloop(j, c2):
            def mloop(m, c3):
                o = j * 128 + m * 16
                rv = rows_v[pl.ds(o, 16)]
                cv = cols_v[pl.ds(o, 16)]
                vv = vals_v[pl.ds(o, 16)]
                flat = rv * A + cv
                inhalf = lax.shift_right_logical(rv, 11) == cid_v
                v2 = jnp.where(rv == cv, ones_v, vv)
                sidx[j, pl.ds(m * 16, 16)] = jnp.where(inhalf, flat, dump_v)
                sval[j, pl.ds(m * 16, 16)] = jnp.where(inhalf, v2, ones_v)
                return c3
            lax.fori_loop(0, 8, mloop, c2)
            return c2
        lax.fori_loop(0, C // 128, jloop, 0)

        hs = [pltpu.async_copy(sval.at[j], out_hbm.at[sidx.at[j]], sem_b)
              for j in range(C // 128)]
        for h in hs:
            h.wait()
        return carry
    lax.fori_loop(0, cpt, chunk, 0)

    @pl.when(sid == 15)
    def _tail():
        pltpu.sync_copy(tr_hbm, rows_v.at[pl.ds(0, 16)])
        pltpu.sync_copy(tc_hbm, cols_v.at[pl.ds(0, 16)])
        pltpu.sync_copy(tv_hbm, vals_v.at[pl.ds(0, 16)])
        rv = rows_v[pl.ds(0, 16)]
        cv = cols_v[pl.ds(0, 16)]
        vv = vals_v[pl.ds(0, 16)]
        flat = rv * A + cv
        inhalf = lax.shift_right_logical(rv, 11) == cid_v
        v2 = jnp.where(rv == cv, ones_v, vv)
        sidx[0, pl.ds(0, 16)] = jnp.where(inhalf, flat, dump_v)
        sval[0, pl.ds(0, 16)] = jnp.where(inhalf, v2, ones_v)

        def pad(j, carry):
            sidx[0, pl.ds(j * 16, 16)] = dump_v
            sval[0, pl.ds(j * 16, 16)] = ones_v
            return carry
        lax.fori_loop(1, 8, pad, 0)
        pltpu.async_copy(sval.at[0], out_hbm.at[sidx.at[0]], sem_b).wait()


_scatter = functools.partial(
    pl.kernel,
    out_type=jax.ShapeDtypeStruct((A * A,), jnp.float32),
    mesh=plsc.VectorSubcoreMesh(core_axis_name="c", subcore_axis_name="s"),
    scratch_types=[
        pltpu.VMEM((FILLW,), jnp.float32),
        pltpu.VMEM((C,), jnp.int32),
        pltpu.VMEM((C,), jnp.int32),
        pltpu.VMEM((C,), jnp.float32),
        pltpu.VMEM((C // 128, 128), jnp.int32),
        pltpu.VMEM((C // 128, 128), jnp.float32),
        pltpu.SemaphoreType.DMA,
        pltpu.SemaphoreType.DMA,
    ],
)(_body)


def kernel(learn_row, learn_col, bias_param):
    N = learn_row.shape[0]
    assert N >= C and N >= 16
    tr = learn_row[N - 16:]
    tc = learn_col[N - 16:]
    tv = bias_param[N - 16:]
    flat = _scatter(learn_row, learn_col, bias_param, tr, tc, tv)
    return flat.reshape(1, A, A)

# --- scband reference (transcript-rebuilt; emitter-appended) ---
"""Pipeline reference for scband-trainable-small-world-12111807775167 (READ-ONLY COPY).

The authoritative reference and input builder live on the scoring server;
editing this copy changes nothing except your own understanding.
"""

import jax, jax.numpy as jnp
import numpy as np
import math

A = 4096
K = 10
P = 0.3
FREEZE_FRAC = 0.5


def _watts_strogatz_adj(n, k, p, rng):
    idx = np.arange(n)
    adj = np.zeros((n, n), dtype=bool)
    for d in range(1, k // 2 + 1):
        adj[idx, (idx + d) % n] = True
        adj[idx, (idx - d) % n] = True
    # rewiring pass (vectorized approximation of nx.watts_strogatz_graph)
    for d in range(1, k // 2 + 1):
        rewire = rng.random(n) < p
        src = idx[rewire]
        if src.size == 0:
            continue
        old_dst = (src + d) % n
        new_dst = rng.integers(0, n, size=src.shape[0])
        ok = (new_dst != src) & (~adj[src, new_dst])
        src, old_dst, new_dst = src[ok], old_dst[ok], new_dst[ok]
        adj[src, old_dst] = False
        adj[old_dst, src] = False
        adj[src, new_dst] = True
        adj[new_dst, src] = True
    return adj


def setup_inputs() -> dict:
    rng = np.random.default_rng(0)
    adj = _watts_strogatz_adj(A, K, P, rng)
    # zeros = absent edges; freeze a fraction of them permanently at -inf
    zeros = np.argwhere(~adj)
    n_freeze = int(math.ceil(len(zeros) * FREEZE_FRAC))
    perm = rng.permutation(len(zeros))[:n_freeze]
    frozen = zeros[perm]
    learn_mask = np.ones((A, A), dtype=bool)
    learn_mask[frozen[:, 0], frozen[:, 1]] = False
    learnable_idx = np.argwhere(learn_mask)
    learn_row = jnp.asarray(learnable_idx[:, 0], dtype=jnp.int32)
    learn_col = jnp.asarray(learnable_idx[:, 1], dtype=jnp.int32)
    # init: zeros everywhere (present-edge entries explicitly set to 0.0, same value)
    bias_param = jnp.zeros((learnable_idx.shape[0],), dtype=jnp.float32)
    return {"learn_row": learn_row, "learn_col": learn_col, "bias_param": bias_param}


def reference(learn_row, learn_col, bias_param):
    bias = jnp.full((A, A), -jnp.inf, dtype=bias_param.dtype)
    bias = bias.at[learn_row, learn_col].set(bias_param)
    d = jnp.arange(A)
    bias = bias.at[d, d].set(1.0)
    # symmetric=False -> no symmetrization
    return bias[None, :, :]

if __name__ == "__main__":
    import jax
    _d = setup_inputs()
    print(jax.jit(kernel)(*tuple(_d.values())))

</pallas_src>

<mosaic_0001>
#map = affine_map<(d0, d1) -> (0)>
module attributes {stable_mosaic.version = 14 : i64} {
  func.func @_body(%arg0: i32, %arg1: i32, %arg2: memref<8409088xi32, #tpu.memory_space<hbm>>, %arg3: memref<8409088xi32, #tpu.memory_space<hbm>>, %arg4: memref<8409088xf32, #tpu.memory_space<hbm>>, %arg5: memref<16xi32, #tpu.memory_space<hbm>>, %arg6: memref<16xi32, #tpu.memory_space<hbm>>, %arg7: memref<16xf32, #tpu.memory_space<hbm>>, %arg8: memref<16777216xf32, #tpu.memory_space<hbm>>, %arg9: memref<65536xf32, #tpu.memory_space<vmem>>, %arg10: memref<4096xi32, #tpu.memory_space<vmem>>, %arg11: memref<4096xi32, #tpu.memory_space<vmem>>, %arg12: memref<4096xf32, #tpu.memory_space<vmem>>, %arg13: memref<32x128xi32, #tpu.memory_space<vmem>>, %arg14: memref<32x128xf32, #tpu.memory_space<vmem>>, %arg15: memref<!tpu.dma_semaphore, #tpu.memory_space<semaphore_mem>>, %arg16: memref<!tpu.dma_semaphore, #tpu.memory_space<semaphore_mem>>) attributes {dimension_semantics = [#tpu.dimension_semantics<core_parallel>, #tpu.dimension_semantics<subcore_parallel>], iteration_bounds = array<i64: 2, 16>, scalar_prefetch = 0 : i64, scratch_operands = 8 : i64, tpu.core_type = #tpu.core_type<sc_vector_subcore>, window_params = [{transform_indices = #map}, {transform_indices = #map}, {transform_indices = #map}, {transform_indices = #map}, {transform_indices = #map}, {transform_indices = #map}, {transform_indices = #map}]} {
    %scan3A = arith.constant 0 : i32
    %scan3A_0 = arith.constant 0 : i32
    %scan3A_1 = arith.constant 4096 : i32
    %scan3A_2 = arith.addi %scan3A_0, %scan3A_1 : i32
    %scan3A_3 = arith.constant 1 : i32
    scf.for %scan3A_100 = %scan3A_0 to %scan3A_2 step %scan3A_3  : i32 {
      %broadcast_in_dim3A_101 = arith.constant 0xFF800000 : f32
      %broadcast_in_dim3A_102 = vector.broadcast %broadcast_in_dim3A_101 : f32 to vector<16xf32>
      %mul3A_103 = arith.constant 16 : i32
      %mul3A_104 = arith.muli %scan3A_100, %mul3A_103 : i32
      %swap3A = arith.index_cast %mul3A_104 : i32 to index
      %swap3A_105 = tpu.vector_load %arg9[%swap3A] {strides = array<i32>} : memref<65536xf32, #tpu.memory_space<vmem>>, vector<16xf32>,
      %swap3A_106 = vector.shape_cast %swap3A_105 : vector<16xf32> to vector<16xf32>
      %swap3A_107 = vector.shape_cast %broadcast_in_dim3A_102 : vector<16xf32> to vector<16xf32>
      tpu.vector_store %arg9[%swap3A], %swap3A_107 {strides = array<i32>} : memref<65536xf32, #tpu.memory_space<vmem>>, vector<16xf32>,
    }
    %scan3A_4 = arith.constant 4096 : i32
    %mul3A = arith.constant 2048 : i32
    %mul3A_5 = arith.muli %arg0, %mul3A : i32
    %mul3A_6 = arith.constant 128 : i32
    %mul3A_7 = arith.muli %arg1, %mul3A_6 : i32
    %add3A = arith.addi %mul3A_5, %mul3A_7 : i32
    %mul3A_8 = arith.constant 4096 : i32
    %mul3A_9 = arith.muli %add3A, %mul3A_8 : i32
    %add3A_10 = arith.constant 0 : i32
    %add3A_11 = arith.addi %mul3A_9, %add3A_10 : i32
    %dma_start3A = tpu.memref_slice %arg8[%add3A_11] : memref<16777216xf32, #tpu.memory_space<hbm>> -> memref<65536xf32, #tpu.memory_space<hbm>>
    %dma_start3A_12 = tpu.memref_slice %arg8[%add3A_11] : memref<16777216xf32, #tpu.memory_space<hbm>> -> memref<65536xf32, #tpu.memory_space<hbm>>
    tpu.enqueue_dma source(%arg9 : memref<65536xf32, #tpu.memory_space<vmem>>) target(%dma_start3A_12 : memref<65536xf32, #tpu.memory_space<hbm>>) target_semaphore(%arg15 : memref<!tpu.dma_semaphore, #tpu.memory_space<semaphore_mem>>)
    %add3A_13 = arith.constant 65536 : i32
    %add3A_14 = arith.addi %mul3A_9, %add3A_13 : i32
    %dma_start3A_15 = tpu.memref_slice %arg8[%add3A_14] : memref<16777216xf32, #tpu.memory_space<hbm>> -> memref<65536xf32, #tpu.memory_space<hbm>>
    %dma_start3A_16 = tpu.memref_slice %arg8[%add3A_14] : memref<16777216xf32, #tpu.memory_space<hbm>> -> memref<65536xf32, #tpu.memory_space<hbm>>
    tpu.enqueue_dma source(%arg9 : memref<65536xf32, #tpu.memory_space<vmem>>) target(%dma_start3A_16 : memref<65536xf32, #tpu.memory_space<hbm>>) target_semaphore(%arg15 : memref<!tpu.dma_semaphore, #tpu.memory_space<semaphore_mem>>)
    %add3A_17 = arith.constant 131072 : i32
    %add3A_18 = arith.addi %mul3A_9, %add3A_17 : i32
    %dma_start3A_19 = tpu.memref_slice %arg8[%add3A_18] : memref<16777216xf32, #tpu.memory_space<hbm>> -> memref<65536xf32, #tpu.memory_space<hbm>>
    %dma_start3A_20 = tpu.memref_slice %arg8[%add3A_18] : memref<16777216xf32, #tpu.memory_space<hbm>> -> memref<65536xf32, #tpu.memory_space<hbm>>
    tpu.enqueue_dma source(%arg9 : memref<65536xf32, #tpu.memory_space<vmem>>) target(%dma_start3A_20 : memref<65536xf32, #tpu.memory_space<hbm>>) target_semaphore(%arg15 : memref<!tpu.dma_semaphore, #tpu.memory_space<semaphore_mem>>)
    %add3A_21 = arith.constant 196608 : i32
    %add3A_22 = arith.addi %mul3A_9, %add3A_21 : i32
    %dma_start3A_23 = tpu.memref_slice %arg8[%add3A_22] : memref<16777216xf32, #tpu.memory_space<hbm>> -> memref<65536xf32, #tpu.memory_space<hbm>>
    %dma_start3A_24 = tpu.memref_slice %arg8[%add3A_22] : memref<16777216xf32, #tpu.memory_space<hbm>> -> memref<65536xf32, #tpu.memory_space<hbm>>
    tpu.enqueue_dma source(%arg9 : memref<65536xf32, #tpu.memory_space<vmem>>) target(%dma_start3A_24 : memref<65536xf32, #tpu.memory_space<hbm>>) target_semaphore(%arg15 : memref<!tpu.dma_semaphore, #tpu.memory_space<semaphore_mem>>)
    %add3A_25 = arith.constant 262144 : i32
    %add3A_26 = arith.addi %mul3A_9, %add3A_25 : i32
    %dma_start3A_27 = tpu.memref_slice %arg8[%add3A_26] : memref<16777216xf32, #tpu.memory_space<hbm>> -> memref<65536xf32, #tpu.memory_space<hbm>>
    %dma_start3A_28 = tpu.memref_slice %arg8[%add3A_26] : memref<16777216xf32, #tpu.memory_space<hbm>> -> memref<65536xf32, #tpu.memory_space<hbm>>
    tpu.enqueue_dma source(%arg9 : memref<65536xf32, #tpu.memory_space<vmem>>) target(%dma_start3A_28 : memref<65536xf32, #tpu.memory_space<hbm>>) target_semaphore(%arg15 : memref<!tpu.dma_semaphore, #tpu.memory_space<semaphore_mem>>)
    %add3A_29 = arith.constant 327680 : i32
    %add3A_30 = arith.addi %mul3A_9, %add3A_29 : i32
    %dma_start3A_31 = tpu.memref_slice %arg8[%add3A_30] : memref<16777216xf32, #tpu.memory_space<hbm>> -> memref<65536xf32, #tpu.memory_space<hbm>>
    %dma_start3A_32 = tpu.memref_slice %arg8[%add3A_30] : memref<16777216xf32, #tpu.memory_space<hbm>> -> memref<65536xf32, #tpu.memory_space<hbm>>
    tpu.enqueue_dma source(%arg9 : memref<65536xf32, #tpu.memory_space<vmem>>) target(%dma_start3A_32 : memref<65536xf32, #tpu.memory_space<hbm>>) target_semaphore(%arg15 : memref<!tpu.dma_semaphore, #tpu.memory_space<semaphore_mem>>)
    %add3A_33 = arith.constant 393216 : i32
    %add3A_34 = arith.addi %mul3A_9, %add3A_33 : i32
    %dma_start3A_35 = tpu.memref_slice %arg8[%add3A_34] : memref<16777216xf32, #tpu.memory_space<hbm>> -> memref<65536xf32, #tpu.memory_space<hbm>>
    %dma_start3A_36 = tpu.memref_slice %arg8[%add3A_34] : memref<16777216xf32, #tpu.memory_space<hbm>> -> memref<65536xf32, #tpu.memory_space<hbm>>
    tpu.enqueue_dma source(%arg9 : memref<65536xf32, #tpu.memory_space<vmem>>) target(%dma_start3A_36 : memref<65536xf32, #tpu.memory_space<hbm>>) target_semaphore(%arg15 : memref<!tpu.dma_semaphore, #tpu.memory_space<semaphore_mem>>)
    %add3A_37 = arith.constant 458752 : i32
    %add3A_38 = arith.addi %mul3A_9, %add3A_37 : i32
    %dma_start3A_39 = tpu.memref_slice %arg8[%add3A_38] : memref<16777216xf32, #tpu.memory_space<hbm>> -> memref<65536xf32, #tpu.memory_space<hbm>>
    %dma_start3A_40 = tpu.memref_slice %arg8[%add3A_38] : memref<16777216xf32, #tpu.memory_space<hbm>> -> memref<65536xf32, #tpu.memory_space<hbm>>
    tpu.enqueue_dma source(%arg9 : memref<65536xf32, #tpu.memory_space<vmem>>) target(%dma_start3A_40 : memref<65536xf32, #tpu.memory_space<hbm>>) target_semaphore(%arg15 : memref<!tpu.dma_semaphore, #tpu.memory_space<semaphore_mem>>)
    %dma_wait3A = tpu.memref_slice %arg8[%add3A_11] : memref<16777216xf32, #tpu.memory_space<hbm>> -> memref<65536xf32, #tpu.memory_space<hbm>>
    %dma_wait3A_41 = tpu.memref_slice %arg8[%add3A_11] : memref<16777216xf32, #tpu.memory_space<hbm>> -> memref<65536xf32, #tpu.memory_space<hbm>>
    tpu.wait_dma2 semaphore(%arg15 : memref<!tpu.dma_semaphore, #tpu.memory_space<semaphore_mem>>) src(%arg9 : memref<65536xf32, #tpu.memory_space<vmem>>) dst(%dma_wait3A_41 : memref<65536xf32, #tpu.memory_space<hbm>>)
    %dma_wait3A_42 = tpu.memref_slice %arg8[%add3A_14] : memref<16777216xf32, #tpu.memory_space<hbm>> -> memref<65536xf32, #tpu.memory_space<hbm>>
    %dma_wait3A_43 = tpu.memref_slice %arg8[%add3A_14] : memref<16777216xf32, #tpu.memory_space<hbm>> -> memref<65536xf32, #tpu.memory_space<hbm>>
    tpu.wait_dma2 semaphore(%arg15 : memref<!tpu.dma_semaphore, #tpu.memory_space<semaphore_mem>>) src(%arg9 : memref<65536xf32, #tpu.memory_space<vmem>>) dst(%dma_wait3A_43 : memref<65536xf32, #tpu.memory_space<hbm>>)
    %dma_wait3A_44 = tpu.memref_slice %arg8[%add3A_18] : memref<16777216xf32, #tpu.memory_space<hbm>> -> memref<65536xf32, #tpu.memory_space<hbm>>
    %dma_wait3A_45 = tpu.memref_slice %arg8[%add3A_18] : memref<16777216xf32, #tpu.memory_space<hbm>> -> memref<65536xf32, #tpu.memory_space<hbm>>
    tpu.wait_dma2 semaphore(%arg15 : memref<!tpu.dma_semaphore, #tpu.memory_space<semaphore_mem>>) src(%arg9 : memref<65536xf32, #tpu.memory_space<vmem>>) dst(%dma_wait3A_45 : memref<65536xf32, #tpu.memory_space<hbm>>)
    %dma_wait3A_46 = tpu.memref_slice %arg8[%add3A_22] : memref<16777216xf32, #tpu.memory_space<hbm>> -> memref<65536xf32, #tpu.memory_space<hbm>>
    %dma_wait3A_47 = tpu.memref_slice %arg8[%add3A_22] : memref<16777216xf32, #tpu.memory_space<hbm>> -> memref<65536xf32, #tpu.memory_space<hbm>>
    tpu.wait_dma2 semaphore(%arg15 : memref<!tpu.dma_semaphore, #tpu.memory_space<semaphore_mem>>) src(%arg9 : memref<65536xf32, #tpu.memory_space<vmem>>) dst(%dma_wait3A_47 : memref<65536xf32, #tpu.memory_space<hbm>>)
    %dma_wait3A_48 = tpu.memref_slice %arg8[%add3A_26] : memref<16777216xf32, #tpu.memory_space<hbm>> -> memref<65536xf32, #tpu.memory_space<hbm>>
    %dma_wait3A_49 = tpu.memref_slice %arg8[%add3A_26] : memref<16777216xf32, #tpu.memory_space<hbm>> -> memref<65536xf32, #tpu.memory_space<hbm>>
    tpu.wait_dma2 semaphore(%arg15 : memref<!tpu.dma_semaphore, #tpu.memory_space<semaphore_mem>>) src(%arg9 : memref<65536xf32, #tpu.memory_space<vmem>>) dst(%dma_wait3A_49 : memref<65536xf32, #tpu.memory_space<hbm>>)
    %dma_wait3A_50 = tpu.memref_slice %arg8[%add3A_30] : memref<16777216xf32, #tpu.memory_space<hbm>> -> memref<65536xf32, #tpu.memory_space<hbm>>
    %dma_wait3A_51 = tpu.memref_slice %arg8[%add3A_30] : memref<16777216xf32, #tpu.memory_space<hbm>> -> memref<65536xf32, #tpu.memory_space<hbm>>
    tpu.wait_dma2 semaphore(%arg15 : memref<!tpu.dma_semaphore, #tpu.memory_space<semaphore_mem>>) src(%arg9 : memref<65536xf32, #tpu.memory_space<vmem>>) dst(%dma_wait3A_51 : memref<65536xf32, #tpu.memory_space<hbm>>)
    %dma_wait3A_52 = tpu.memref_slice %arg8[%add3A_34] : memref<16777216xf32, #tpu.memory_space<hbm>> -> memref<65536xf32, #tpu.memory_space<hbm>>
    %dma_wait3A_53 = tpu.memref_slice %arg8[%add3A_34] : memref<16777216xf32, #tpu.memory_space<hbm>> -> memref<65536xf32, #tpu.memory_space<hbm>>
    tpu.wait_dma2 semaphore(%arg15 : memref<!tpu.dma_semaphore, #tpu.memory_space<semaphore_mem>>) src(%arg9 : memref<65536xf32, #tpu.memory_space<vmem>>) dst(%dma_wait3A_53 : memref<65536xf32, #tpu.memory_space<hbm>>)
    %dma_wait3A_54 = tpu.memref_slice %arg8[%add3A_38] : memref<16777216xf32, #tpu.memory_space<hbm>> -> memref<65536xf32, #tpu.memory_space<hbm>>
    %dma_wait3A_55 = tpu.memref_slice %arg8[%add3A_38] : memref<16777216xf32, #tpu.memory_space<hbm>> -> memref<65536xf32, #tpu.memory_space<hbm>>
    tpu.wait_dma2 semaphore(%arg15 : memref<!tpu.dma_semaphore, #tpu.memory_space<semaphore_mem>>) src(%arg9 : memref<65536xf32, #tpu.memory_space<vmem>>) dst(%dma_wait3A_55 : memref<65536xf32, #tpu.memory_space<hbm>>)
    %scan3A_56 = arith.constant 0 : i32
    %scan3A_57 = arith.constant 0 : i32
    %scan3A_58 = arith.constant 8 : i32
    %scan3A_59 = arith.addi %scan3A_57, %scan3A_58 : i32
    %scan3A_60 = arith.constant 1 : i32
    scf.for %scan3A_100 = %scan3A_57 to %scan3A_59 step %scan3A_60  : i32 {
      %iota3A = tpu.iota {dimensions = array<i32: 0>} : vector<16xi32>
      %mul3A_101 = arith.constant 16 : i32
      %mul3A_102 = arith.muli %scan3A_100, %mul3A_101 : i32
      %add3A_103 = arith.addi %add3A, %mul3A_102 : i32
      %broadcast_in_dim3A_104 = vector.broadcast %add3A_103 : i32 to vector<16xi32>
      %add3A_105 = arith.addi %broadcast_in_dim3A_104, %iota3A : vector<16xi32>
      %mul3A_106 = arith.constant 4097 : i32
      %mul3A_107 = vector.broadcast %mul3A_106 : i32 to vector<16xi32>
      %mul3A_108 = arith.muli %add3A_105, %mul3A_107 : vector<16xi32>
      %mul3A_109 = arith.constant 16 : i32
      %mul3A_110 = arith.muli %scan3A_100, %mul3A_109 : i32
      %swap3A = arith.constant 0 : i32
      %swap3A_111 = arith.index_cast %swap3A : i32 to index
      %swap3A_112 = arith.index_cast %mul3A_110 : i32 to index
      %swap3A_113 = tpu.vector_load %arg13[%swap3A_111, %swap3A_112] {strides = array<i32>} : memref<32x128xi32, #tpu.memory_space<vmem>>, vector<1x16xi32>,
      %swap3A_114 = vector.shape_cast %swap3A_113 : vector<1x16xi32> to vector<16xi32>
      %swap3A_115 = vector.shape_cast %mul3A_108 : vector<16xi32> to vector<1x16xi32>
      tpu.vector_store %arg13[%swap3A_111, %swap3A_112], %swap3A_115 {strides = array<i32>} : memref<32x128xi32, #tpu.memory_space<vmem>>, vector<1x16xi32>,
      %broadcast_in_dim3A_116 = arith.constant 1.000000e+00 : f32
      %broadcast_in_dim3A_117 = vector.broadcast %broadcast_in_dim3A_116 : f32 to vector<16xf32>
      %mul3A_118 = arith.constant 16 : i32
      %mul3A_119 = arith.muli %scan3A_100, %mul3A_118 : i32
      %swap3A_120 = arith.constant 0 : i32
      %swap3A_121 = arith.index_cast %swap3A_120 : i32 to index
      %swap3A_122 = arith.index_cast %mul3A_119 : i32 to index
      %swap3A_123 = tpu.vector_load %arg14[%swap3A_121, %swap3A_122] {strides = array<i32>} : memref<32x128xf32, #tpu.memory_space<vmem>>, vector<1x16xf32>,
      %swap3A_124 = vector.shape_cast %swap3A_123 : vector<1x16xf32> to vector<16xf32>
      %swap3A_125 = vector.shape_cast %broadcast_in_dim3A_117 : vector<16xf32> to vector<1x16xf32>
      tpu.vector_store %arg14[%swap3A_121, %swap3A_122], %swap3A_125 {strides = array<i32>} : memref<32x128xf32, #tpu.memory_space<vmem>>, vector<1x16xf32>,
    }
    %scan3A_61 = arith.constant 8 : i32
    %dma_start3A_62 = arith.constant 0 : i32
    %dma_start3A_63 = arith.constant 0 : i32
    %dma_start3A_64 = arith.constant 0 : i32
    %dma_start3A_65 = tpu.memref_slice %arg14[%dma_start3A_62, %dma_start3A_64] : memref<32x128xf32, #tpu.memory_space<vmem>> -> memref<1x128xf32, #tpu.memory_space<vmem>>
    %dma_start3A_66 = tpu.memref_squeeze %dma_start3A_65 : memref<1x128xf32, #tpu.memory_space<vmem>> -> memref<128xf32, #tpu.memory_space<vmem>>
    %dma_start3A_67 = arith.constant 0 : i32
    %dma_start3A_68 = tpu.memref_slice %arg13[%dma_start3A_63, %dma_start3A_67] : memref<32x128xi32, #tpu.memory_space<vmem>> -> memref<1x128xi32, #tpu.memory_space<vmem>>
    %dma_start3A_69 = tpu.memref_squeeze %dma_start3A_68 : memref<1x128xi32, #tpu.memory_space<vmem>> -> memref<128xi32, #tpu.memory_space<vmem>>
    %dma_start3A_70 = arith.constant 0 : i32
    %dma_start3A_71 = tpu.memref_slice %arg8[%dma_start3A_70] : memref<16777216xf32, #tpu.memory_space<hbm>> -> memref<16777216xf32, #tpu.memory_space<hbm>>
    tpu.enqueue_indirect_dma source(%dma_start3A_66 : memref<128xf32, #tpu.memory_space<vmem>>) target(%dma_start3A_71 : memref<16777216xf32, #tpu.memory_space<hbm>>) offsets(%dma_start3A_69 : memref<128xi32, #tpu.memory_space<vmem>>) semaphore(%arg16 : memref<!tpu.dma_semaphore, #tpu.memory_space<semaphore_mem>>)
    %dma_wait3A_72 = arith.constant 0 : i32
    %dma_wait3A_73 = arith.constant 0 : i32
    %dma_wait3A_74 = arith.constant 0 : i32
    %dma_wait3A_75 = tpu.memref_slice %arg14[%dma_wait3A_72, %dma_wait3A_74] : memref<32x128xf32, #tpu.memory_space<vmem>> -> memref<1x128xf32, #tpu.memory_space<vmem>>
    %dma_wait3A_76 = tpu.memref_squeeze %dma_wait3A_75 : memref<1x128xf32, #tpu.memory_space<vmem>> -> memref<128xf32, #tpu.memory_space<vmem>>
    %dma_wait3A_77 = arith.constant 0 : i32
    %dma_wait3A_78 = tpu.memref_slice %arg13[%dma_wait3A_73, %dma_wait3A_77] : memref<32x128xi32, #tpu.memory_space<vmem>> -> memref<1x128xi32, #tpu.memory_space<vmem>>
    %dma_wait3A_79 = tpu.memref_squeeze %dma_wait3A_78 : memref<1x128xi32, #tpu.memory_space<vmem>> -> memref<128xi32, #tpu.memory_space<vmem>>
    %dma_wait3A_80 = arith.constant 0 : i32
    %dma_wait3A_81 = tpu.memref_slice %arg8[%dma_wait3A_80] : memref<16777216xf32, #tpu.memory_space<hbm>> -> memref<16777216xf32, #tpu.memory_space<hbm>>
    tpu.wait_indirect_dma semaphore(%arg16 : memref<!tpu.dma_semaphore, #tpu.memory_space<semaphore_mem>>) src(%dma_wait3A_76 : memref<128xf32, #tpu.memory_space<vmem>>) dst(%dma_wait3A_81 : memref<16777216xf32, #tpu.memory_space<hbm>>)
    %barrier3A = arith.constant 0 : index
    tpu.barrier barrier_id(%barrier3A)
    %mul3A_82 = arith.constant 2048 : i32
    %mul3A_83 = arith.muli %arg0, %mul3A_82 : i32
    %mul3A_84 = arith.constant 4096 : i32
    %mul3A_85 = arith.muli %mul3A_83, %mul3A_84 : i32
    %mul3A_86 = arith.constant 2048 : i32
    %mul3A_87 = arith.muli %arg0, %mul3A_86 : i32
    %add3A_88 = arith.addi %mul3A_85, %mul3A_87 : i32
    %broadcast_in_dim3A = vector.broadcast %add3A_88 : i32 to vector<16xi32>
    %broadcast_in_dim3A_89 = vector.broadcast %arg0 : i32 to vector<16xi32>
    %broadcast_in_dim3A_90 = arith.constant 1.000000e+00 : f32
    %broadcast_in_dim3A_91 = vector.broadcast %broadcast_in_dim3A_90 : f32 to vector<16xf32>
    %scan3A_92 = arith.constant 0 : i32
    %scan3A_93 = arith.constant 0 : i32
    %scan3A_94 = arith.constant 129 : i32
    %scan3A_95 = arith.addi %scan3A_93, %scan3A_94 : i32
    %scan3A_96 = arith.constant 1 : i32
    scf.for %scan3A_100 = %scan3A_93 to %scan3A_95 step %scan3A_96  : i32 {
      %mul3A_101 = arith.constant 129 : i32
      %mul3A_102 = arith.muli %arg1, %mul3A_101 : i32
      %add3A_103 = arith.addi %mul3A_102, %scan3A_100 : i32
      %mul3A_104 = arith.constant 4096 : i32
      %mul3A_105 = arith.muli %add3A_103, %mul3A_104 : i32
      %min3A = arith.constant 8404992 : i32
      %min3A_106 = arith.minsi %mul3A_105, %min3A : i32
      %and3A = arith.constant -8 : i32
      %and3A_107 = arith.andi %min3A_106, %and3A : i32
      %multiple_of3A = tpu.assume_multiple %and3A_107, 8 : i32
      %dma_start3A_108 = tpu.memref_slice %arg2[%multiple_of3A] : memref<8409088xi32, #tpu.memory_space<hbm>> -> memref<4096xi32, #tpu.memory_space<hbm>>
      %dma_start3A_109 = tpu.memref_slice %arg2[%multiple_of3A] : memref<8409088xi32, #tpu.memory_space<hbm>> -> memref<4096xi32, #tpu.memory_space<hbm>>
      tpu.enqueue_dma source(%dma_start3A_109 : memref<4096xi32, #tpu.memory_space<hbm>>) target(%arg10 : memref<4096xi32, #tpu.memory_space<vmem>>) target_semaphore(%arg15 : memref<!tpu.dma_semaphore, #tpu.memory_space<semaphore_mem>>)
      %dma_start3A_110 = tpu.memref_slice %arg3[%multiple_of3A] : memref<8409088xi32, #tpu.memory_space<hbm>> -> memref<4096xi32, #tpu.memory_space<hbm>>
      %dma_start3A_111 = tpu.memref_slice %arg3[%multiple_of3A] : memref<8409088xi32, #tpu.memory_space<hbm>> -> memref<4096xi32, #tpu.memory_space<hbm>>
      tpu.enqueue_dma source(%dma_start3A_111 : memref<4096xi32, #tpu.memory_space<hbm>>) target(%arg11 : memref<4096xi32, #tpu.memory_space<vmem>>) target_semaphore(%arg15 : memref<!tpu.dma_semaphore, #tpu.memory_space<semaphore_mem>>)
      %dma_start3A_112 = tpu.memref_slice %arg4[%multiple_of3A] : memref<8409088xf32, #tpu.memory_space<hbm>> -> memref<4096xf32, #tpu.memory_space<hbm>>
      %dma_start3A_113 = tpu.memref_slice %arg4[%multiple_of3A] : memref<8409088xf32, #tpu.memory_space<hbm>> -> memref<4096xf32, #tpu.memory_space<hbm>>
      tpu.enqueue_dma source(%dma_start3A_113 : memref<4096xf32, #tpu.memory_space<hbm>>) target(%arg12 : memref<4096xf32, #tpu.memory_space<vmem>>) target_semaphore(%arg15 : memref<!tpu.dma_semaphore, #tpu.memory_space<semaphore_mem>>)
      %dma_wait3A_114 = tpu.memref_slice %arg2[%multiple_of3A] : memref<8409088xi32, #tpu.memory_space<hbm>> -> memref<4096xi32, #tpu.memory_space<hbm>>
      %dma_wait3A_115 = tpu.memref_slice %arg2[%multiple_of3A] : memref<8409088xi32, #tpu.memory_space<hbm>> -> memref<4096xi32, #tpu.memory_space<hbm>>
      tpu.wait_dma2 semaphore(%arg15 : memref<!tpu.dma_semaphore, #tpu.memory_space<semaphore_mem>>) src(%dma_wait3A_115 : memref<4096xi32, #tpu.memory_space<hbm>>) dst(%arg10 : memref<4096xi32, #tpu.memory_space<vmem>>)
      %dma_wait3A_116 = tpu.memref_slice %arg3[%multiple_of3A] : memref<8409088xi32, #tpu.memory_space<hbm>> -> memref<4096xi32, #tpu.memory_space<hbm>>
      %dma_wait3A_117 = tpu.memref_slice %arg3[%multiple_of3A] : memref<8409088xi32, #tpu.memory_space<hbm>> -> memref<4096xi32, #tpu.memory_space<hbm>>
      tpu.wait_dma2 semaphore(%arg15 : memref<!tpu.dma_semaphore, #tpu.memory_space<semaphore_mem>>) src(%dma_wait3A_117 : memref<4096xi32, #tpu.memory_space<hbm>>) dst(%arg11 : memref<4096xi32, #tpu.memory_space<vmem>>)
      %dma_wait3A_118 = tpu.memref_slice %arg4[%multiple_of3A] : memref<8409088xf32, #tpu.memory_space<hbm>> -> memref<4096xf32, #tpu.memory_space<hbm>>
      %dma_wait3A_119 = tpu.memref_slice %arg4[%multiple_of3A] : memref<8409088xf32, #tpu.memory_space<hbm>> -> memref<4096xf32, #tpu.memory_space<hbm>>
      tpu.wait_dma2 semaphore(%arg15 : memref<!tpu.dma_semaphore, #tpu.memory_space<semaphore_mem>>) src(%dma_wait3A_119 : memref<4096xf32, #tpu.memory_space<hbm>>) dst(%arg12 : memref<4096xf32, #tpu.memory_space<vmem>>)
      %scan3A_120 = arith.constant 0 : i32
      %scan3A_121 = arith.constant 0 : i32
      %scan3A_122 = arith.constant 32 : i32
      %scan3A_123 = arith.addi %scan3A_121, %scan3A_122 : i32
      %scan3A_124 = arith.constant 1 : i32
      scf.for %scan3A_766 = %scan3A_121 to %scan3A_123 step %scan3A_124  : i32 {
        %scan3A_767 = arith.constant 0 : i32
        %scan3A_768 = arith.constant 8 : i32
        %scan3A_769 = arith.addi %scan3A_767, %scan3A_768 : i32
        %scan3A_770 = arith.constant 1 : i32
        scf.for %scan3A_772 = %scan3A_767 to %scan3A_769 step %scan3A_770  : i32 {
          %mul3A_773 = arith.constant 128 : i32
          %mul3A_774 = arith.muli %scan3A_766, %mul3A_773 : i32
          %mul3A_775 = arith.constant 16 : i32
          %mul3A_776 = arith.muli %scan3A_772, %mul3A_775 : i32
          %add3A_777 = arith.addi %mul3A_774, %mul3A_776 : i32
          %get3A = arith.index_cast %add3A_777 : i32 to index
          %get3A_778 = tpu.vector_load %arg10[%get3A] {strides = array<i32>} : memref<4096xi32, #tpu.memory_space<vmem>>, vector<16xi32>,
          %get3A_779 = vector.shape_cast %get3A_778 : vector<16xi32> to vector<16xi32>
          %get3A_780 = arith.index_cast %add3A_777 : i32 to index
          %get3A_781 = tpu.vector_load %arg11[%get3A_780] {strides = array<i32>} : memref<4096xi32, #tpu.memory_space<vmem>>, vector<16xi32>,
          %get3A_782 = vector.shape_cast %get3A_781 : vector<16xi32> to vector<16xi32>
          %get3A_783 = arith.index_cast %add3A_777 : i32 to index
          %get3A_784 = tpu.vector_load %arg12[%get3A_783] {strides = array<i32>} : memref<4096xf32, #tpu.memory_space<vmem>>, vector<16xf32>,
          %get3A_785 = vector.shape_cast %get3A_784 : vector<16xf32> to vector<16xf32>
          %mul3A_786 = arith.constant 4096 : i32
          %mul3A_787 = vector.broadcast %mul3A_786 : i32 to vector<16xi32>
          %mul3A_788 = arith.muli %get3A_779, %mul3A_787 : vector<16xi32>
          %add3A_789 = arith.addi %mul3A_788, %get3A_782 : vector<16xi32>
          %shift_right_logical3A = arith.constant 11 : i32
          %shift_right_logical3A_790 = vector.broadcast %shift_right_logical3A : i32 to vector<16xi32>
          %shift_right_logical3A_791 = arith.shrui %get3A_779, %shift_right_logical3A_790 : vector<16xi32>
          %eq3A_792 = arith.cmpi eq, %shift_right_logical3A_791, %broadcast_in_dim3A_89 : vector<16xi32>
          %eq3A_793 = arith.cmpi eq, %get3A_779, %get3A_782 : vector<16xi32>
          %select_n3A = arith.select %eq3A_793, %broadcast_in_dim3A_91, %get3A_785 : vector<16xi1>, vector<16xf32>
          %select_n3A_794 = arith.select %eq3A_792, %add3A_789, %broadcast_in_dim3A : vector<16xi1>, vector<16xi32>
          %mul3A_795 = arith.constant 16 : i32
          %mul3A_796 = arith.muli %scan3A_772, %mul3A_795 : i32
          %swap3A = arith.index_cast %scan3A_766 : i32 to index
          %swap3A_797 = arith.index_cast %mul3A_796 : i32 to index
          %swap3A_798 = tpu.vector_load %arg13[%swap3A, %swap3A_797] {strides = array<i32>} : memref<32x128xi32, #tpu.memory_space<vmem>>, vector<1x16xi32>,
          %swap3A_799 = vector.shape_cast %swap3A_798 : vector<1x16xi32> to vector<16xi32>
          %swap3A_800 = vector.shape_cast %select_n3A_794 : vector<16xi32> to vector<1x16xi32>
          tpu.vector_store %arg13[%swap3A, %swap3A_797], %swap3A_800 {strides = array<i32>} : memref<32x128xi32, #tpu.memory_space<vmem>>, vector<1x16xi32>,
          %select_n3A_801 = arith.select %eq3A_792, %select_n3A, %broadcast_in_dim3A_91 : vector<16xi1>, vector<16xf32>
          %mul3A_802 = arith.constant 16 : i32
          %mul3A_803 = arith.muli %scan3A_772, %mul3A_802 : i32
          %swap3A_804 = arith.index_cast %scan3A_766 : i32 to index
          %swap3A_805 = arith.index_cast %mul3A_803 : i32 to index
          %swap3A_806 = tpu.vector_load %arg14[%swap3A_804, %swap3A_805] {strides = array<i32>} : memref<32x128xf32, #tpu.memory_space<vmem>>, vector<1x16xf32>,
          %swap3A_807 = vector.shape_cast %swap3A_806 : vector<1x16xf32> to vector<16xf32>
          %swap3A_808 = vector.shape_cast %select_n3A_801 : vector<16xf32> to vector<1x16xf32>
          tpu.vector_store %arg14[%swap3A_804, %swap3A_805], %swap3A_808 {strides = array<i32>} : memref<32x128xf32, #tpu.memory_space<vmem>>, vector<1x16xf32>,
        }
        %scan3A_771 = arith.constant 8 : i32
      }
      %scan3A_125 = arith.constant 32 : i32
      %dma_start3A_126 = arith.constant 0 : i32
      %dma_start3A_127 = arith.constant 0 : i32
      %dma_start3A_128 = arith.constant 0 : i32
      %dma_start3A_129 = tpu.memref_slice %arg14[%dma_start3A_126, %dma_start3A_128] : memref<32x128xf32, #tpu.memory_space<vmem>> -> memref<1x128xf32, #tpu.memory_space<vmem>>
      %dma_start3A_130 = tpu.memref_squeeze %dma_start3A_129 : memref<1x128xf32, #tpu.memory_space<vmem>> -> memref<128xf32, #tpu.memory_space<vmem>>
      %dma_start3A_131 = arith.constant 0 : i32
      %dma_start3A_132 = tpu.memref_slice %arg13[%dma_start3A_127, %dma_start3A_131] : memref<32x128xi32, #tpu.memory_space<vmem>> -> memref<1x128xi32, #tpu.memory_space<vmem>>
      %dma_start3A_133 = tpu.memref_squeeze %dma_start3A_132 : memref<1x128xi32, #tpu.memory_space<vmem>> -> memref<128xi32, #tpu.memory_space<vmem>>
      %dma_start3A_134 = arith.constant 0 : i32
      %dma_start3A_135 = tpu.memref_slice %arg8[%dma_start3A_134] : memref<16777216xf32, #tpu.memory_space<hbm>> -> memref<16777216xf32, #tpu.memory_space<hbm>>
      tpu.enqueue_indirect_dma source(%dma_start3A_130 : memref<128xf32, #tpu.memory_space<vmem>>) target(%dma_start3A_135 : memref<16777216xf32, #tpu.memory_space<hbm>>) offsets(%dma_start3A_133 : memref<128xi32, #tpu.memory_space<vmem>>) semaphore(%arg16 : memref<!tpu.dma_semaphore, #tpu.memory_space<semaphore_mem>>)
      %dma_start3A_136 = arith.constant 1 : i32
      %dma_start3A_137 = arith.constant 1 : i32
      %dma_start3A_138 = arith.constant 0 : i32
      %dma_start3A_139 = tpu.memref_slice %arg14[%dma_start3A_136, %dma_start3A_138] : memref<32x128xf32, #tpu.memory_space<vmem>> -> memref<1x128xf32, #tpu.memory_space<vmem>>
      %dma_start3A_140 = tpu.memref_squeeze %dma_start3A_139 : memref<1x128xf32, #tpu.memory_space<vmem>> -> memref<128xf32, #tpu.memory_space<vmem>>
      %dma_start3A_141 = arith.constant 0 : i32
      %dma_start3A_142 = tpu.memref_slice %arg13[%dma_start3A_137, %dma_start3A_141] : memref<32x128xi32, #tpu.memory_space<vmem>> -> memref<1x128xi32, #tpu.memory_space<vmem>>
      %dma_start3A_143 = tpu.memref_squeeze %dma_start3A_142 : memref<1x128xi32, #tpu.memory_space<vmem>> -> memref<128xi32, #tpu.memory_space<vmem>>
      %dma_start3A_144 = arith.constant 0 : i32
      %dma_start3A_145 = tpu.memref_slice %arg8[%dma_start3A_144] : memref<16777216xf32, #tpu.memory_space<hbm>> -> memref<16777216xf32, #tpu.memory_space<hbm>>
      tpu.enqueue_indirect_dma source(%dma_start3A_140 : memref<128xf32, #tpu.memory_space<vmem>>) target(%dma_start3A_145 : memref<16777216xf32, #tpu.memory_space<hbm>>) offsets(%dma_start3A_143 : memref<128xi32, #tpu.memory_space<vmem>>) semaphore(%arg16 : memref<!tpu.dma_semaphore, #tpu.memory_space<semaphore_mem>>)
      %dma_start3A_146 = arith.constant 2 : i32
      %dma_start3A_147 = arith.constant 2 : i32
      %dma_start3A_148 = arith.constant 0 : i32
      %dma_start3A_149 = tpu.memref_slice %arg14[%dma_start3A_146, %dma_start3A_148] : memref<32x128xf32, #tpu.memory_space<vmem>> -> memref<1x128xf32, #tpu.memory_space<vmem>>
      %dma_start3A_150 = tpu.memref_squeeze %dma_start3A_149 : memref<1x128xf32, #tpu.memory_space<vmem>> -> memref<128xf32, #tpu.memory_space<vmem>>
      %dma_start3A_151 = arith.constant 0 : i32
      %dma_start3A_152 = tpu.memref_slice %arg13[%dma_start3A_147, %dma_start3A_151] : memref<32x128xi32, #tpu.memory_space<vmem>> -> memref<1x128xi32, #tpu.memory_space<vmem>>
      %dma_start3A_153 = tpu.memref_squeeze %dma_start3A_152 : memref<1x128xi32, #tpu.memory_space<vmem>> -> memref<128xi32, #tpu.memory_space<vmem>>
      %dma_start3A_154 = arith.constant 0 : i32
      %dma_start3A_155 = tpu.memref_slice %arg8[%dma_start3A_154] : memref<16777216xf32, #tpu.memory_space<hbm>> -> memref<16777216xf32, #tpu.memory_space<hbm>>
      tpu.enqueue_indirect_dma source(%dma_start3A_150 : memref<128xf32, #tpu.memory_space<vmem>>) target(%dma_start3A_155 : memref<16777216xf32, #tpu.memory_space<hbm>>) offsets(%dma_start3A_153 : memref<128xi32, #tpu.memory_space<vmem>>) semaphore(%arg16 : memref<!tpu.dma_semaphore, #tpu.memory_space<semaphore_mem>>)
      %dma_start3A_156 = arith.constant 3 : i32
      %dma_start3A_157 = arith.constant 3 : i32
      %dma_start3A_158 = arith.constant 0 : i32
      %dma_start3A_159 = tpu.memref_slice %arg14[%dma_start3A_156, %dma_start3A_158] : memref<32x128xf32, #tpu.memory_space<vmem>> -> memref<1x128xf32, #tpu.memory_space<vmem>>
      %dma_start3A_160 = tpu.memref_squeeze %dma_start3A_159 : memref<1x128xf32, #tpu.memory_space<vmem>> -> memref<128xf32, #tpu.memory_space<vmem>>
      %dma_start3A_161 = arith.constant 0 : i32
      %dma_start3A_162 = tpu.memref_slice %arg13[%dma_start3A_157, %dma_start3A_161] : memref<32x128xi32, #tpu.memory_space<vmem>> -> memref<1x128xi32, #tpu.memory_space<vmem>>
      %dma_start3A_163 = tpu.memref_squeeze %dma_start3A_162 : memref<1x128xi32, #tpu.memory_space<vmem>> -> memref<128xi32, #tpu.memory_space<vmem>>
      %dma_start3A_164 = arith.constant 0 : i32
      %dma_start3A_165 = tpu.memref_slice %arg8[%dma_start3A_164] : memref<16777216xf32, #tpu.memory_space<hbm>> -> memref<16777216xf32, #tpu.memory_space<hbm>>
      tpu.enqueue_indirect_dma source(%dma_start3A_160 : memref<128xf32, #tpu.memory_space<vmem>>) target(%dma_start3A_165 : memref<16777216xf32, #tpu.memory_space<hbm>>) offsets(%dma_start3A_163 : memref<128xi32, #tpu.memory_space<vmem>>) semaphore(%arg16 : memref<!tpu.dma_semaphore, #tpu.memory_space<semaphore_mem>>)
      %dma_start3A_166 = arith.constant 4 : i32
      %dma_start3A_167 = arith.constant 4 : i32
      %dma_start3A_168 = arith.constant 0 : i32
      %dma_start3A_169 = tpu.memref_slice %arg14[%dma_start3A_166, %dma_start3A_168] : memref<32x128xf32, #tpu.memory_space<vmem>> -> memref<1x128xf32, #tpu.memory_space<vmem>>
      %dma_start3A_170 = tpu.memref_squeeze %dma_start3A_169 : memref<1x128xf32, #tpu.memory_space<vmem>> -> memref<128xf32, #tpu.memory_space<vmem>>
      %dma_start3A_171 = arith.constant 0 : i32
      %dma_start3A_172 = tpu.memref_slice %arg13[%dma_start3A_167, %dma_start3A_171] : memref<32x128xi32, #tpu.memory_space<vmem>> -> memref<1x128xi32, #tpu.memory_space<vmem>>
      %dma_start3A_173 = tpu.memref_squeeze %dma_start3A_172 : memref<1x128xi32, #tpu.memory_space<vmem>> -> memref<128xi32, #tpu.memory_space<vmem>>
      %dma_start3A_174 = arith.constant 0 : i32
      %dma_start3A_175 = tpu.memref_slice %arg8[%dma_start3A_174] : memref<16777216xf32, #tpu.memory_space<hbm>> -> memref<16777216xf32, #tpu.memory_space<hbm>>
      tpu.enqueue_indirect_dma source(%dma_start3A_170 : memref<128xf32, #tpu.memory_space<vmem>>) target(%dma_start3A_175 : memref<16777216xf32, #tpu.memory_space<hbm>>) offsets(%dma_start3A_173 : memref<128xi32, #tpu.memory_space<vmem>>) semaphore(%arg16 : memref<!tpu.dma_semaphore, #tpu.memory_space<semaphore_mem>>)
      %dma_start3A_176 = arith.constant 5 : i32
      %dma_start3A_177 = arith.constant 5 : i32
      %dma_start3A_178 = arith.constant 0 : i32
      %dma_start3A_179 = tpu.memref_slice %arg14[%dma_start3A_176, %dma_start3A_178] : memref<32x128xf32, #tpu.memory_space<vmem>> -> memref<1x128xf32, #tpu.memory_space<vmem>>
      %dma_start3A_180 = tpu.memref_squeeze %dma_start3A_179 : memref<1x128xf32, #tpu.memory_space<vmem>> -> memref<128xf32, #tpu.memory_space<vmem>>
      %dma_start3A_181 = arith.constant 0 : i32
      %dma_start3A_182 = tpu.memref_slice %arg13[%dma_start3A_177, %dma_start3A_181] : memref<32x128xi32, #tpu.memory_space<vmem>> -> memref<1x128xi32, #tpu.memory_space<vmem>>
      %dma_start3A_183 = tpu.memref_squeeze %dma_start3A_182 : memref<1x128xi32, #tpu.memory_space<vmem>> -> memref<128xi32, #tpu.memory_space<vmem>>
      %dma_start3A_184 = arith.constant 0 : i32
      %dma_start3A_185 = tpu.memref_slice %arg8[%dma_start3A_184] : memref<16777216xf32, #tpu.memory_space<hbm>> -> memref<16777216xf32, #tpu.memory_space<hbm>>
      tpu.enqueue_indirect_dma source(%dma_start3A_180 : memref<128xf32, #tpu.memory_space<vmem>>) target(%dma_start3A_185 : memref<16777216xf32, #tpu.memory_space<hbm>>) offsets(%dma_start3A_183 : memref<128xi32, #tpu.memory_space<vmem>>) semaphore(%arg16 : memref<!tpu.dma_semaphore, #tpu.memory_space<semaphore_mem>>)
      %dma_start3A_186 = arith.constant 6 : i32
      %dma_start3A_187 = arith.constant 6 : i32
      %dma_start3A_188 = arith.constant 0 : i32
      %dma_start3A_189 = tpu.memref_slice %arg14[%dma_start3A_186, %dma_start3A_188] : memref<32x128xf32, #tpu.memory_space<vmem>> -> memref<1x128xf32, #tpu.memory_space<vmem>>
      %dma_start3A_190 = tpu.memref_squeeze %dma_start3A_189 : memref<1x128xf32, #tpu.memory_space<vmem>> -> memref<128xf32, #tpu.memory_space<vmem>>
      %dma_start3A_191 = arith.constant 0 : i32
      %dma_start3A_192 = tpu.memref_slice %arg13[%dma_start3A_187, %dma_start3A_191] : memref<32x128xi32, #tpu.memory_space<vmem>> -> memref<1x128xi32, #tpu.memory_space<vmem>>
      %dma_start3A_193 = tpu.memref_squeeze %dma_start3A_192 : memref<1x128xi32, #tpu.memory_space<vmem>> -> memref<128xi32, #tpu.memory_space<vmem>>
      %dma_start3A_194 = arith.constant 0 : i32
      %dma_start3A_195 = tpu.memref_slice %arg8[%dma_start3A_194] : memref<16777216xf32, #tpu.memory_space<hbm>> -> memref<16777216xf32, #tpu.memory_space<hbm>>
      tpu.enqueue_indirect_dma source(%dma_start3A_190 : memref<128xf32, #tpu.memory_space<vmem>>) target(%dma_start3A_195 : memref<16777216xf32, #tpu.memory_space<hbm>>) offsets(%dma_start3A_193 : memref<128xi32, #tpu.memory_space<vmem>>) semaphore(%arg16 : memref<!tpu.dma_semaphore, #tpu.memory_space<semaphore_mem>>)
      %dma_start3A_196 = arith.constant 7 : i32
      %dma_start3A_197 = arith.constant 7 : i32
      %dma_start3A_198 = arith.constant 0 : i32
      %dma_start3A_199 = tpu.memref_slice %arg14[%dma_start3A_196, %dma_start3A_198] : memref<32x128xf32, #tpu.memory_space<vmem>> -> memref<1x128xf32, #tpu.memory_space<vmem>>
      %dma_start3A_200 = tpu.memref_squeeze %dma_start3A_199 : memref<1x128xf32, #tpu.memory_space<vmem>> -> memref<128xf32, #tpu.memory_space<vmem>>
      %dma_start3A_201 = arith.constant 0 : i32
      %dma_start3A_202 = tpu.memref_slice %arg13[%dma_start3A_197, %dma_start3A_201] : memref<32x128xi32, #tpu.memory_space<vmem>> -> memref<1x128xi32, #tpu.memory_space<vmem>>
      %dma_start3A_203 = tpu.memref_squeeze %dma_start3A_202 : memref<1x128xi32, #tpu.memory_space<vmem>> -> memref<128xi32, #tpu.memory_space<vmem>>
      %dma_start3A_204 = arith.constant 0 : i32
      %dma_start3A_205 = tpu.memref_slice %arg8[%dma_start3A_204] : memref<16777216xf32, #tpu.memory_space<hbm>> -> memref<16777216xf32, #tpu.memory_space<hbm>>
      tpu.enqueue_indirect_dma source(%dma_start3A_200 : memref<128xf32, #tpu.memory_space<vmem>>) target(%dma_start3A_205 : memref<16777216xf32, #tpu.memory_space<hbm>>) offsets(%dma_start3A_203 : memref<128xi32, #tpu.memory_space<vmem>>) semaphore(%arg16 : memref<!tpu.dma_semaphore, #tpu.memory_space<semaphore_mem>>)
      %dma_start3A_206 = arith.constant 8 : i32
      %dma_start3A_207 = arith.constant 8 : i32
      %dma_start3A_208 = arith.constant 0 : i32
      %dma_start3A_209 = tpu.memref_slice %arg14[%dma_start3A_206, %dma_start3A_208] : memref<32x128xf32, #tpu.memory_space<vmem>> -> memref<1x128xf32, #tpu.memory_space<vmem>>
      %dma_start3A_210 = tpu.memref_squeeze %dma_start3A_209 : memref<1x128xf32, #tpu.memory_space<vmem>> -> memref<128xf32, #tpu.memory_space<vmem>>
      %dma_start3A_211 = arith.constant 0 : i32
      %dma_start3A_212 = tpu.memref_slice %arg13[%dma_start3A_207, %dma_start3A_211] : memref<32x128xi32, #tpu.memory_space<vmem>> -> memref<1x128xi32, #tpu.memory_space<vmem>>
      %dma_start3A_213 = tpu.memref_squeeze %dma_start3A_212 : memref<1x128xi32, #tpu.memory_space<vmem>> -> memref<128xi32, #tpu.memory_space<vmem>>
      %dma_start3A_214 = arith.constant 0 : i32
      %dma_start3A_215 = tpu.memref_slice %arg8[%dma_start3A_214] : memref<16777216xf32, #tpu.memory_space<hbm>> -> memref<16777216xf32, #tpu.memory_space<hbm>>
      tpu.enqueue_indirect_dma source(%dma_start3A_210 : memref<128xf32, #tpu.memory_space<vmem>>) target(%dma_start3A_215 : memref<16777216xf32, #tpu.memory_space<hbm>>) offsets(%dma_start3A_213 : memref<128xi32, #tpu.memory_space<vmem>>) semaphore(%arg16 : memref<!tpu.dma_semaphore, #tpu.memory_space<semaphore_mem>>)
      %dma_start3A_216 = arith.constant 9 : i32
      %dma_start3A_217 = arith.constant 9 : i32
      %dma_start3A_218 = arith.constant 0 : i32
      %dma_start3A_219 = tpu.memref_slice %arg14[%dma_start3A_216, %dma_start3A_218] : memref<32x128xf32, #tpu.memory_space<vmem>> -> memref<1x128xf32, #tpu.memory_space<vmem>>
      %dma_start3A_220 = tpu.memref_squeeze %dma_start3A_219 : memref<1x128xf32, #tpu.memory_space<vmem>> -> memref<128xf32, #tpu.memory_space<vmem>>
      %dma_start3A_221 = arith.constant 0 : i32
      %dma_start3A_222 = tpu.memref_slice %arg13[%dma_start3A_217, %dma_start3A_221] : memref<32x128xi32, #tpu.memory_space<vmem>> -> memref<1x128xi32, #tpu.memory_space<vmem>>
      %dma_start3A_223 = tpu.memref_squeeze %dma_start3A_222 : memref<1x128xi32, #tpu.memory_space<vmem>> -> memref<128xi32, #tpu.memory_space<vmem>>
      %dma_start3A_224 = arith.constant 0 : i32
      %dma_start3A_225 = tpu.memref_slice %arg8[%dma_start3A_224] : memref<16777216xf32, #tpu.memory_space<hbm>> -> memref<16777216xf32, #tpu.memory_space<hbm>>
      tpu.enqueue_indirect_dma source(%dma_start3A_220 : memref<128xf32, #tpu.memory_space<vmem>>) target(%dma_start3A_225 : memref<16777216xf32, #tpu.memory_space<hbm>>) offsets(%dma_start3A_223 : memref<128xi32, #tpu.memory_space<vmem>>) semaphore(%arg16 : memref<!tpu.dma_semaphore, #tpu.memory_space<semaphore_mem>>)
      %dma_start3A_226 = arith.constant 10 : i32
      %dma_start3A_227 = arith.constant 10 : i32
      %dma_start3A_228 = arith.constant 0 : i32
      %dma_start3A_229 = tpu.memref_slice %arg14[%dma_start3A_226, %dma_start3A_228] : memref<32x128xf32, #tpu.memory_space<vmem>> -> memref<1x128xf32, #tpu.memory_space<vmem>>
      %dma_start3A_230 = tpu.memref_squeeze %dma_start3A_229 : memref<1x128xf32, #tpu.memory_space<vmem>> -> memref<128xf32, #tpu.memory_space<vmem>>
      %dma_start3A_231 = arith.constant 0 : i32
      %dma_start3A_232 = tpu.memref_slice %arg13[%dma_start3A_227, %dma_start3A_231] : memref<32x128xi32, #tpu.memory_space<vmem>> -> memref<1x128xi32, #tpu.memory_space<vmem>>
      %dma_start3A_233 = tpu.memref_squeeze %dma_start3A_232 : memref<1x128xi32, #tpu.memory_space<vmem>> -> memref<128xi32, #tpu.memory_space<vmem>>
      %dma_start3A_234 = arith.constant 0 : i32
      %dma_start3A_235 = tpu.memref_slice %arg8[%dma_start3A_234] : memref<16777216xf32, #tpu.memory_space<hbm>> -> memref<16777216xf32, #tpu.memory_space<hbm>>
      tpu.enqueue_indirect_dma source(%dma_start3A_230 : memref<128xf32, #tpu.memory_space<vmem>>) target(%dma_start3A_235 : memref<16777216xf32, #tpu.memory_space<hbm>>) offsets(%dma_start3A_233 : memref<128xi32, #tpu.memory_space<vmem>>) semaphore(%arg16 : memref<!tpu.dma_semaphore, #tpu.memory_space<semaphore_mem>>)
      %dma_start3A_236 = arith.constant 11 : i32
      %dma_start3A_237 = arith.constant 11 : i32
      %dma_start3A_238 = arith.constant 0 : i32
      %dma_start3A_239 = tpu.memref_slice %arg14[%dma_start3A_236, %dma_start3A_238] : memref<32x128xf32, #tpu.memory_space<vmem>> -> memref<1x128xf32, #tpu.memory_space<vmem>>
      %dma_start3A_240 = tpu.memref_squeeze %dma_start3A_239 : memref<1x128xf32, #tpu.memory_space<vmem>> -> memref<128xf32, #tpu.memory_space<vmem>>
      %dma_start3A_241 = arith.constant 0 : i32
      %dma_start3A_242 = tpu.memref_slice %arg13[%dma_start3A_237, %dma_start3A_241] : memref<32x128xi32, #tpu.memory_space<vmem>> -> memref<1x128xi32, #tpu.memory_space<vmem>>
      %dma_start3A_243 = tpu.memref_squeeze %dma_start3A_242 : memref<1x128xi32, #tpu.memory_space<vmem>> -> memref<128xi32, #tpu.memory_space<vmem>>
      %dma_start3A_244 = arith.constant 0 : i32
      %dma_start3A_245 = tpu.memref_slice %arg8[%dma_start3A_244] : memref<16777216xf32, #tpu.memory_space<hbm>> -> memref<16777216xf32, #tpu.memory_space<hbm>>
      tpu.enqueue_indirect_dma source(%dma_start3A_240 : memref<128xf32, #tpu.memory_space<vmem>>) target(%dma_start3A_245 : memref<16777216xf32, #tpu.memory_space<hbm>>) offsets(%dma_start3A_243 : memref<128xi32, #tpu.memory_space<vmem>>) semaphore(%arg16 : memref<!tpu.dma_semaphore, #tpu.memory_space<semaphore_mem>>)
      %dma_start3A_246 = arith.constant 12 : i32
      %dma_start3A_247 = arith.constant 12 : i32
      %dma_start3A_248 = arith.constant 0 : i32
      %dma_start3A_249 = tpu.memref_slice %arg14[%dma_start3A_246, %dma_start3A_248] : memref<32x128xf32, #tpu.memory_space<vmem>> -> memref<1x128xf32, #tpu.memory_space<vmem>>
      %dma_start3A_250 = tpu.memref_squeeze %dma_start3A_249 : memref<1x128xf32, #tpu.memory_space<vmem>> -> memref<128xf32, #tpu.memory_space<vmem>>
      %dma_start3A_251 = arith.constant 0 : i32
      %dma_start3A_252 = tpu.memref_slice %arg13[%dma_start3A_247, %dma_start3A_251] : memref<32x128xi32, #tpu.memory_space<vmem>> -> memref<1x128xi32, #tpu.memory_space<vmem>>
      %dma_start3A_253 = tpu.memref_squeeze %dma_start3A_252 : memref<1x128xi32, #tpu.memory_space<vmem>> -> memref<128xi32, #tpu.memory_space<vmem>>
      %dma_start3A_254 = arith.constant 0 : i32
      %dma_start3A_255 = tpu.memref_slice %arg8[%dma_start3A_254] : memref<16777216xf32, #tpu.memory_space<hbm>> -> memref<16777216xf32, #tpu.memory_space<hbm>>
      tpu.enqueue_indirect_dma source(%dma_start3A_250 : memref<128xf32, #tpu.memory_space<vmem>>) target(%dma_start3A_255 : memref<16777216xf32, #tpu.memory_space<hbm>>) offsets(%dma_start3A_253 : memref<128xi32, #tpu.memory_space<vmem>>) semaphore(%arg16 : memref<!tpu.dma_semaphore, #tpu.memory_space<semaphore_mem>>)
      %dma_start3A_256 = arith.constant 13 : i32
      %dma_start3A_257 = arith.constant 13 : i32
      %dma_start3A_258 = arith.constant 0 : i32
      %dma_start3A_259 = tpu.memref_slice %arg14[%dma_start3A_256, %dma_start3A_258] : memref<32x128xf32, #tpu.memory_space<vmem>> -> memref<1x128xf32, #tpu.memory_space<vmem>>
      %dma_start3A_260 = tpu.memref_squeeze %dma_start3A_259 : memref<1x128xf32, #tpu.memory_space<vmem>> -> memref<128xf32, #tpu.memory_space<vmem>>
      %dma_start3A_261 = arith.constant 0 : i32
      %dma_start3A_262 = tpu.memref_slice %arg13[%dma_start3A_257, %dma_start3A_261] : memref<32x128xi32, #tpu.memory_space<vmem>> -> memref<1x128xi32, #tpu.memory_space<vmem>>
      %dma_start3A_263 = tpu.memref_squeeze %dma_start3A_262 : memref<1x128xi32, #tpu.memory_space<vmem>> -> memref<128xi32, #tpu.memory_space<vmem>>
      %dma_start3A_264 = arith.constant 0 : i32
      %dma_start3A_265 = tpu.memref_slice %arg8[%dma_start3A_264] : memref<16777216xf32, #tpu.memory_space<hbm>> -> memref<16777216xf32, #tpu.memory_space<hbm>>
      tpu.enqueue_indirect_dma source(%dma_start3A_260 : memref<128xf32, #tpu.memory_space<vmem>>) target(%dma_start3A_265 : memref<16777216xf32, #tpu.memory_space<hbm>>) offsets(%dma_start3A_263 : memref<128xi32, #tpu.memory_space<vmem>>) semaphore(%arg16 : memref<!tpu.dma_semaphore, #tpu.memory_space<semaphore_mem>>)
      %dma_start3A_266 = arith.constant 14 : i32
      %dma_start3A_267 = arith.constant 14 : i32
      %dma_start3A_268 = arith.constant 0 : i32
      %dma_start3A_269 = tpu.memref_slice %arg14[%dma_start3A_266, %dma_start3A_268] : memref<32x128xf32, #tpu.memory_space<vmem>> -> memref<1x128xf32, #tpu.memory_space<vmem>>
      %dma_start3A_270 = tpu.memref_squeeze %dma_start3A_269 : memref<1x128xf32, #tpu.memory_space<vmem>> -> memref<128xf32, #tpu.memory_space<vmem>>
      %dma_start3A_271 = arith.constant 0 : i32
      %dma_start3A_272 = tpu.memref_slice %arg13[%dma_start3A_267, %dma_start3A_271] : memref<32x128xi32, #tpu.memory_space<vmem>> -> memref<1x128xi32, #tpu.memory_space<vmem>>
      %dma_start3A_273 = tpu.memref_squeeze %dma_start3A_272 : memref<1x128xi32, #tpu.memory_space<vmem>> -> memref<128xi32, #tpu.memory_space<vmem>>
      %dma_start3A_274 = arith.constant 0 : i32
      %dma_start3A_275 = tpu.memref_slice %arg8[%dma_start3A_274] : memref<16777216xf32, #tpu.memory_space<hbm>> -> memref<16777216xf32, #tpu.memory_space<hbm>>
      tpu.enqueue_indirect_dma source(%dma_start3A_270 : memref<128xf32, #tpu.memory_space<vmem>>) target(%dma_start3A_275 : memref<16777216xf32, #tpu.memory_space<hbm>>) offsets(%dma_start3A_273 : memref<128xi32, #tpu.memory_space<vmem>>) semaphore(%arg16 : memref<!tpu.dma_semaphore, #tpu.memory_space<semaphore_mem>>)
      %dma_start3A_276 = arith.constant 15 : i32
      %dma_start3A_277 = arith.constant 15 : i32
      %dma_start3A_278 = arith.constant 0 : i32
      %dma_start3A_279 = tpu.memref_slice %arg14[%dma_start3A_276, %dma_start3A_278] : memref<32x128xf32, #tpu.memory_space<vmem>> -> memref<1x128xf32, #tpu.memory_space<vmem>>
      %dma_start3A_280 = tpu.memref_squeeze %dma_start3A_279 : memref<1x128xf32, #tpu.memory_space<vmem>> -> memref<128xf32, #tpu.memory_space<vmem>>
      %dma_start3A_281 = arith.constant 0 : i32
      %dma_start3A_282 = tpu.memref_slice %arg13[%dma_start3A_277, %dma_start3A_281] : memref<32x128xi32, #tpu.memory_space<vmem>> -> memref<1x128xi32, #tpu.memory_space<vmem>>
      %dma_start3A_283 = tpu.memref_squeeze %dma_start3A_282 : memref<1x128xi32, #tpu.memory_space<vmem>> -> memref<128xi32, #tpu.memory_space<vmem>>
      %dma_start3A_284 = arith.constant 0 : i32
      %dma_start3A_285 = tpu.memref_slice %arg8[%dma_start3A_284] : memref<16777216xf32, #tpu.memory_space<hbm>> -> memref<16777216xf32, #tpu.memory_space<hbm>>
      tpu.enqueue_indirect_dma source(%dma_start3A_280 : memref<128xf32, #tpu.memory_space<vmem>>) target(%dma_start3A_285 : memref<16777216xf32, #tpu.memory_space<hbm>>) offsets(%dma_start3A_283 : memref<128xi32, #tpu.memory_space<vmem>>) semaphore(%arg16 : memref<!tpu.dma_semaphore, #tpu.memory_space<semaphore_mem>>)
      %dma_start3A_286 = arith.constant 16 : i32
      %dma_start3A_287 = arith.constant 16 : i32
      %dma_start3A_288 = arith.constant 0 : i32
      %dma_start3A_289 = tpu.memref_slice %arg14[%dma_start3A_286, %dma_start3A_288] : memref<32x128xf32, #tpu.memory_space<vmem>> -> memref<1x128xf32, #tpu.memory_space<vmem>>
      %dma_start3A_290 = tpu.memref_squeeze %dma_start3A_289 : memref<1x128xf32, #tpu.memory_space<vmem>> -> memref<128xf32, #tpu.memory_space<vmem>>
      %dma_start3A_291 = arith.constant 0 : i32
      %dma_start3A_292 = tpu.memref_slice %arg13[%dma_start3A_287, %dma_start3A_291] : memref<32x128xi32, #tpu.memory_space<vmem>> -> memref<1x128xi32, #tpu.memory_space<vmem>>
      %dma_start3A_293 = tpu.memref_squeeze %dma_start3A_292 : memref<1x128xi32, #tpu.memory_space<vmem>> -> memref<128xi32, #tpu.memory_space<vmem>>
      %dma_start3A_294 = arith.constant 0 : i32
      %dma_start3A_295 = tpu.memref_slice %arg8[%dma_start3A_294] : memref<16777216xf32, #tpu.memory_space<hbm>> -> memref<16777216xf32, #tpu.memory_space<hbm>>
      tpu.enqueue_indirect_dma source(%dma_start3A_290 : memref<128xf32, #tpu.memory_space<vmem>>) target(%dma_start3A_295 : memref<16777216xf32, #tpu.memory_space<hbm>>) offsets(%dma_start3A_293 : memref<128xi32, #tpu.memory_space<vmem>>) semaphore(%arg16 : memref<!tpu.dma_semaphore, #tpu.memory_space<semaphore_mem>>)
      %dma_start3A_296 = arith.constant 17 : i32
      %dma_start3A_297 = arith.constant 17 : i32
      %dma_start3A_298 = arith.constant 0 : i32
      %dma_start3A_299 = tpu.memref_slice %arg14[%dma_start3A_296, %dma_start3A_298] : memref<32x128xf32, #tpu.memory_space<vmem>> -> memref<1x128xf32, #tpu.memory_space<vmem>>
      %dma_start3A_300 = tpu.memref_squeeze %dma_start3A_299 : memref<1x128xf32, #tpu.memory_space<vmem>> -> memref<128xf32, #tpu.memory_space<vmem>>
      %dma_start3A_301 = arith.constant 0 : i32
      %dma_start3A_302 = tpu.memref_slice %arg13[%dma_start3A_297, %dma_start3A_301] : memref<32x128xi32, #tpu.memory_space<vmem>> -> memref<1x128xi32, #tpu.memory_space<vmem>>
      %dma_start3A_303 = tpu.memref_squeeze %dma_start3A_302 : memref<1x128xi32, #tpu.memory_space<vmem>> -> memref<128xi32, #tpu.memory_space<vmem>>
      %dma_start3A_304 = arith.constant 0 : i32
      %dma_start3A_305 = tpu.memref_slice %arg8[%dma_start3A_304] : memref<16777216xf32, #tpu.memory_space<hbm>> -> memref<16777216xf32, #tpu.memory_space<hbm>>
      tpu.enqueue_indirect_dma source(%dma_start3A_300 : memref<128xf32, #tpu.memory_space<vmem>>) target(%dma_start3A_305 : memref<16777216xf32, #tpu.memory_space<hbm>>) offsets(%dma_start3A_303 : memref<128xi32, #tpu.memory_space<vmem>>) semaphore(%arg16 : memref<!tpu.dma_semaphore, #tpu.memory_space<semaphore_mem>>)
      %dma_start3A_306 = arith.constant 18 : i32
      %dma_start3A_307 = arith.constant 18 : i32
      %dma_start3A_308 = arith.constant 0 : i32
      %dma_start3A_309 = tpu.memref_slice %arg14[%dma_start3A_306, %dma_start3A_308] : memref<32x128xf32, #tpu.memory_space<vmem>> -> memref<1x128xf32, #tpu.memory_space<vmem>>
      %dma_start3A_310 = tpu.memref_squeeze %dma_start3A_309 : memref<1x128xf32, #tpu.memory_space<vmem>> -> memref<128xf32, #tpu.memory_space<vmem>>
      %dma_start3A_311 = arith.constant 0 : i32
      %dma_start3A_312 = tpu.memref_slice %arg13[%dma_start3A_307, %dma_start3A_311] : memref<32x128xi32, #tpu.memory_space<vmem>> -> memref<1x128xi32, #tpu.memory_space<vmem>>
      %dma_start3A_313 = tpu.memref_squeeze %dma_start3A_312 : memref<1x128xi32, #tpu.memory_space<vmem>> -> memref<128xi32, #tpu.memory_space<vmem>>
      %dma_start3A_314 = arith.constant 0 : i32
      %dma_start3A_315 = tpu.memref_slice %arg8[%dma_start3A_314] : memref<16777216xf32, #tpu.memory_space<hbm>> -> memref<16777216xf32, #tpu.memory_space<hbm>>
      tpu.enqueue_indirect_dma source(%dma_start3A_310 : memref<128xf32, #tpu.memory_space<vmem>>) target(%dma_start3A_315 : memref<16777216xf32, #tpu.memory_space<hbm>>) offsets(%dma_start3A_313 : memref<128xi32, #tpu.memory_space<vmem>>) semaphore(%arg16 : memref<!tpu.dma_semaphore, #tpu.memory_space<semaphore_mem>>)
      %dma_start3A_316 = arith.constant 19 : i32
      %dma_start3A_317 = arith.constant 19 : i32
      %dma_start3A_318 = arith.constant 0 : i32
      %dma_start3A_319 = tpu.memref_slice %arg14[%dma_start3A_316, %dma_start3A_318] : memref<32x128xf32, #tpu.memory_space<vmem>> -> memref<1x128xf32, #tpu.memory_space<vmem>>
      %dma_start3A_320 = tpu.memref_squeeze %dma_start3A_319 : memref<1x128xf32, #tpu.memory_space<vmem>> -> memref<128xf32, #tpu.memory_space<vmem>>
      %dma_start3A_321 = arith.constant 0 : i32
      %dma_start3A_322 = tpu.memref_slice %arg13[%dma_start3A_317, %dma_start3A_321] : memref<32x128xi32, #tpu.memory_space<vmem>> -> memref<1x128xi32, #tpu.memory_space<vmem>>
      %dma_start3A_323 = tpu.memref_squeeze %dma_start3A_322 : memref<1x128xi32, #tpu.memory_space<vmem>> -> memref<128xi32, #tpu.memory_space<vmem>>
      %dma_start3A_324 = arith.constant 0 : i32
      %dma_start3A_325 = tpu.memref_slice %arg8[%dma_start3A_324] : memref<16777216xf32, #tpu.memory_space<hbm>> -> memref<16777216xf32, #tpu.memory_space<hbm>>
      tpu.enqueue_indirect_dma source(%dma_start3A_320 : memref<128xf32, #tpu.memory_space<vmem>>) target(%dma_start3A_325 : memref<16777216xf32, #tpu.memory_space<hbm>>) offsets(%dma_start3A_323 : memref<128xi32, #tpu.memory_space<vmem>>) semaphore(%arg16 : memref<!tpu.dma_semaphore, #tpu.memory_space<semaphore_mem>>)
      %dma_start3A_326 = arith.constant 20 : i32
      %dma_start3A_327 = arith.constant 20 : i32
      %dma_start3A_328 = arith.constant 0 : i32
      %dma_start3A_329 = tpu.memref_slice %arg14[%dma_start3A_326, %dma_start3A_328] : memref<32x128xf32, #tpu.memory_space<vmem>> -> memref<1x128xf32, #tpu.memory_space<vmem>>
      %dma_start3A_330 = tpu.memref_squeeze %dma_start3A_329 : memref<1x128xf32, #tpu.memory_space<vmem>> -> memref<128xf32, #tpu.memory_space<vmem>>
      %dma_start3A_331 = arith.constant 0 : i32
      %dma_start3A_332 = tpu.memref_slice %arg13[%dma_start3A_327, %dma_start3A_331] : memref<32x128xi32, #tpu.memory_space<vmem>> -> memref<1x128xi32, #tpu.memory_space<vmem>>
      %dma_start3A_333 = tpu.memref_squeeze %dma_start3A_332 : memref<1x128xi32, #tpu.memory_space<vmem>> -> memref<128xi32, #tpu.memory_space<vmem>>
      %dma_start3A_334 = arith.constant 0 : i32
      %dma_start3A_335 = tpu.memref_slice %arg8[%dma_start3A_334] : memref<16777216xf32, #tpu.memory_space<hbm>> -> memref<16777216xf32, #tpu.memory_space<hbm>>
      tpu.enqueue_indirect_dma source(%dma_start3A_330 : memref<128xf32, #tpu.memory_space<vmem>>) target(%dma_start3A_335 : memref<16777216xf32, #tpu.memory_space<hbm>>) offsets(%dma_start3A_333 : memref<128xi32, #tpu.memory_space<vmem>>) semaphore(%arg16 : memref<!tpu.dma_semaphore, #tpu.memory_space<semaphore_mem>>)
      %dma_start3A_336 = arith.constant 21 : i32
      %dma_start3A_337 = arith.constant 21 : i32
      %dma_start3A_338 = arith.constant 0 : i32
      %dma_start3A_339 = tpu.memref_slice %arg14[%dma_start3A_336, %dma_start3A_338] : memref<32x128xf32, #tpu.memory_space<vmem>> -> memref<1x128xf32, #tpu.memory_space<vmem>>
      %dma_start3A_340 = tpu.memref_squeeze %dma_start3A_339 : memref<1x128xf32, #tpu.memory_space<vmem>> -> memref<128xf32, #tpu.memory_space<vmem>>
      %dma_start3A_341 = arith.constant 0 : i32
      %dma_start3A_342 = tpu.memref_slice %arg13[%dma_start3A_337, %dma_start3A_341] : memref<32x128xi32, #tpu.memory_space<vmem>> -> memref<1x128xi32, #tpu.memory_space<vmem>>
      %dma_start3A_343 = tpu.memref_squeeze %dma_start3A_342 : memref<1x128xi32, #tpu.memory_space<vmem>> -> memref<128xi32, #tpu.memory_space<vmem>>
      %dma_start3A_344 = arith.constant 0 : i32
      %dma_start3A_345 = tpu.memref_slice %arg8[%dma_start3A_344] : memref<16777216xf32, #tpu.memory_space<hbm>> -> memref<16777216xf32, #tpu.memory_space<hbm>>
      tpu.enqueue_indirect_dma source(%dma_start3A_340 : memref<128xf32, #tpu.memory_space<vmem>>) target(%dma_start3A_345 : memref<16777216xf32, #tpu.memory_space<hbm>>) offsets(%dma_start3A_343 : memref<128xi32, #tpu.memory_space<vmem>>) semaphore(%arg16 : memref<!tpu.dma_semaphore, #tpu.memory_space<semaphore_mem>>)
      %dma_start3A_346 = arith.constant 22 : i32
      %dma_start3A_347 = arith.constant 22 : i32
      %dma_start3A_348 = arith.constant 0 : i32
      %dma_start3A_349 = tpu.memref_slice %arg14[%dma_start3A_346, %dma_start3A_348] : memref<32x128xf32, #tpu.memory_space<vmem>> -> memref<1x128xf32, #tpu.memory_space<vmem>>
      %dma_start3A_350 = tpu.memref_squeeze %dma_start3A_349 : memref<1x128xf32, #tpu.memory_space<vmem>> -> memref<128xf32, #tpu.memory_space<vmem>>
      %dma_start3A_351 = arith.constant 0 : i32
      %dma_start3A_352 = tpu.memref_slice %arg13[%dma_start3A_347, %dma_start3A_351] : memref<32x128xi32, #tpu.memory_space<vmem>> -> memref<1x128xi32, #tpu.memory_space<vmem>>
      %dma_start3A_353 = tpu.memref_squeeze %dma_start3A_352 : memref<1x128xi32, #tpu.memory_space<vmem>> -> memref<128xi32, #tpu.memory_space<vmem>>
      %dma_start3A_354 = arith.constant 0 : i32
      %dma_start3A_355 = tpu.memref_slice %arg8[%dma_start3A_354] : memref<16777216xf32, #tpu.memory_space<hbm>> -> memref<16777216xf32, #tpu.memory_space<hbm>>
      tpu.enqueue_indirect_dma source(%dma_start3A_350 : memref<128xf32, #tpu.memory_space<vmem>>) target(%dma_start3A_355 : memref<16777216xf32, #tpu.memory_space<hbm>>) offsets(%dma_start3A_353 : memref<128xi32, #tpu.memory_space<vmem>>) semaphore(%arg16 : memref<!tpu.dma_semaphore, #tpu.memory_space<semaphore_mem>>)
      %dma_start3A_356 = arith.constant 23 : i32
      %dma_start3A_357 = arith.constant 23 : i32
      %dma_start3A_358 = arith.constant 0 : i32
      %dma_start3A_359 = tpu.memref_slice %arg14[%dma_start3A_356, %dma_start3A_358] : memref<32x128xf32, #tpu.memory_space<vmem>> -> memref<1x128xf32, #tpu.memory_space<vmem>>
      %dma_start3A_360 = tpu.memref_squeeze %dma_start3A_359 : memref<1x128xf32, #tpu.memory_space<vmem>> -> memref<128xf32, #tpu.memory_space<vmem>>
      %dma_start3A_361 = arith.constant 0 : i32
      %dma_start3A_362 = tpu.memref_slice %arg13[%dma_start3A_357, %dma_start3A_361] : memref<32x128xi32, #tpu.memory_space<vmem>> -> memref<1x128xi32, #tpu.memory_space<vmem>>
      %dma_start3A_363 = tpu.memref_squeeze %dma_start3A_362 : memref<1x128xi32, #tpu.memory_space<vmem>> -> memref<128xi32, #tpu.memory_space<vmem>>
      %dma_start3A_364 = arith.constant 0 : i32
      %dma_start3A_365 = tpu.memref_slice %arg8[%dma_start3A_364] : memref<16777216xf32, #tpu.memory_space<hbm>> -> memref<16777216xf32, #tpu.memory_space<hbm>>
      tpu.enqueue_indirect_dma source(%dma_start3A_360 : memref<128xf32, #tpu.memory_space<vmem>>) target(%dma_start3A_365 : memref<16777216xf32, #tpu.memory_space<hbm>>) offsets(%dma_start3A_363 : memref<128xi32, #tpu.memory_space<vmem>>) semaphore(%arg16 : memref<!tpu.dma_semaphore, #tpu.memory_space<semaphore_mem>>)
      %dma_start3A_366 = arith.constant 24 : i32
      %dma_start3A_367 = arith.constant 24 : i32
      %dma_start3A_368 = arith.constant 0 : i32
      %dma_start3A_369 = tpu.memref_slice %arg14[%dma_start3A_366, %dma_start3A_368] : memref<32x128xf32, #tpu.memory_space<vmem>> -> memref<1x128xf32, #tpu.memory_space<vmem>>
      %dma_start3A_370 = tpu.memref_squeeze %dma_start3A_369 : memref<1x128xf32, #tpu.memory_space<vmem>> -> memref<128xf32, #tpu.memory_space<vmem>>
      %dma_start3A_371 = arith.constant 0 : i32
      %dma_start3A_372 = tpu.memref_slice %arg13[%dma_start3A_367, %dma_start3A_371] : memref<32x128xi32, #tpu.memory_space<vmem>> -> memref<1x128xi32, #tpu.memory_space<vmem>>
      %dma_start3A_373 = tpu.memref_squeeze %dma_start3A_372 : memref<1x128xi32, #tpu.memory_space<vmem>> -> memref<128xi32, #tpu.memory_space<vmem>>
      %dma_start3A_374 = arith.constant 0 : i32
      %dma_start3A_375 = tpu.memref_slice %arg8[%dma_start3A_374] : memref<16777216xf32, #tpu.memory_space<hbm>> -> memref<16777216xf32, #tpu.memory_space<hbm>>
      tpu.enqueue_indirect_dma source(%dma_start3A_370 : memref<128xf32, #tpu.memory_space<vmem>>) target(%dma_start3A_375 : memref<16777216xf32, #tpu.memory_space<hbm>>) offsets(%dma_start3A_373 : memref<128xi32, #tpu.memory_space<vmem>>) semaphore(%arg16 : memref<!tpu.dma_semaphore, #tpu.memory_space<semaphore_mem>>)
      %dma_start3A_376 = arith.constant 25 : i32
      %dma_start3A_377 = arith.constant 25 : i32
      %dma_start3A_378 = arith.constant 0 : i32
      %dma_start3A_379 = tpu.memref_slice %arg14[%dma_start3A_376, %dma_start3A_378] : memref<32x128xf32, #tpu.memory_space<vmem>> -> memref<1x128xf32, #tpu.memory_space<vmem>>
      %dma_start3A_380 = tpu.memref_squeeze %dma_start3A_379 : memref<1x128xf32, #tpu.memory_space<vmem>> -> memref<128xf32, #tpu.memory_space<vmem>>
      %dma_start3A_381 = arith.constant 0 : i32
      %dma_start3A_382 = tpu.memref_slice %arg13[%dma_start3A_377, %dma_start3A_381] : memref<32x128xi32, #tpu.memory_space<vmem>> -> memref<1x128xi32, #tpu.memory_space<vmem>>
      %dma_start3A_383 = tpu.memref_squeeze %dma_start3A_382 : memref<1x128xi32, #tpu.memory_space<vmem>> -> memref<128xi32, #tpu.memory_space<vmem>>
      %dma_start3A_384 = arith.constant 0 : i32
      %dma_start3A_385 = tpu.memref_slice %arg8[%dma_start3A_384] : memref<16777216xf32, #tpu.memory_space<hbm>> -> memref<16777216xf32, #tpu.memory_space<hbm>>
      tpu.enqueue_indirect_dma source(%dma_start3A_380 : memref<128xf32, #tpu.memory_space<vmem>>) target(%dma_start3A_385 : memref<16777216xf32, #tpu.memory_space<hbm>>) offsets(%dma_start3A_383 : memref<128xi32, #tpu.memory_space<vmem>>) semaphore(%arg16 : memref<!tpu.dma_semaphore, #tpu.memory_space<semaphore_mem>>)
      %dma_start3A_386 = arith.constant 26 : i32
      %dma_start3A_387 = arith.constant 26 : i32
      %dma_start3A_388 = arith.constant 0 : i32
      %dma_start3A_389 = tpu.memref_slice %arg14[%dma_start3A_386, %dma_start3A_388] : memref<32x128xf32, #tpu.memory_space<vmem>> -> memref<1x128xf32, #tpu.memory_space<vmem>>
      %dma_start3A_390 = tpu.memref_squeeze %dma_start3A_389 : memref<1x128xf32, #tpu.memory_space<vmem>> -> memref<128xf32, #tpu.memory_space<vmem>>
      %dma_start3A_391 = arith.constant 0 : i32
      %dma_start3A_392 = tpu.memref_slice %arg13[%dma_start3A_387, %dma_start3A_391] : memref<32x128xi32, #tpu.memory_space<vmem>> -> memref<1x128xi32, #tpu.memory_space<vmem>>
      %dma_start3A_393 = tpu.memref_squeeze %dma_start3A_392 : memref<1x128xi32, #tpu.memory_space<vmem>> -> memref<128xi32, #tpu.memory_space<vmem>>
      %dma_start3A_394 = arith.constant 0 : i32
      %dma_start3A_395 = tpu.memref_slice %arg8[%dma_start3A_394] : memref<16777216xf32, #tpu.memory_space<hbm>> -> memref<16777216xf32, #tpu.memory_space<hbm>>
      tpu.enqueue_indirect_dma source(%dma_start3A_390 : memref<128xf32, #tpu.memory_space<vmem>>) target(%dma_start3A_395 : memref<16777216xf32, #tpu.memory_space<hbm>>) offsets(%dma_start3A_393 : memref<128xi32, #tpu.memory_space<vmem>>) semaphore(%arg16 : memref<!tpu.dma_semaphore, #tpu.memory_space<semaphore_mem>>)
      %dma_start3A_396 = arith.constant 27 : i32
      %dma_start3A_397 = arith.constant 27 : i32
      %dma_start3A_398 = arith.constant 0 : i32
      %dma_start3A_399 = tpu.memref_slice %arg14[%dma_start3A_396, %dma_start3A_398] : memref<32x128xf32, #tpu.memory_space<vmem>> -> memref<1x128xf32, #tpu.memory_space<vmem>>
      %dma_start3A_400 = tpu.memref_squeeze %dma_start3A_399 : memref<1x128xf32, #tpu.memory_space<vmem>> -> memref<128xf32, #tpu.memory_space<vmem>>
      %dma_start3A_401 = arith.constant 0 : i32
      %dma_start3A_402 = tpu.memref_slice %arg13[%dma_start3A_397, %dma_start3A_401] : memref<32x128xi32, #tpu.memory_space<vmem>> -> memref<1x128xi32, #tpu.memory_space<vmem>>
      %dma_start3A_403 = tpu.memref_squeeze %dma_start3A_402 : memref<1x128xi32, #tpu.memory_space<vmem>> -> memref<128xi32, #tpu.memory_space<vmem>>
      %dma_start3A_404 = arith.constant 0 : i32
      %dma_start3A_405 = tpu.memref_slice %arg8[%dma_start3A_404] : memref<16777216xf32, #tpu.memory_space<hbm>> -> memref<16777216xf32, #tpu.memory_space<hbm>>
      tpu.enqueue_indirect_dma source(%dma_start3A_400 : memref<128xf32, #tpu.memory_space<vmem>>) target(%dma_start3A_405 : memref<16777216xf32, #tpu.memory_space<hbm>>) offsets(%dma_start3A_403 : memref<128xi32, #tpu.memory_space<vmem>>) semaphore(%arg16 : memref<!tpu.dma_semaphore, #tpu.memory_space<semaphore_mem>>)
      %dma_start3A_406 = arith.constant 28 : i32
      %dma_start3A_407 = arith.constant 28 : i32
      %dma_start3A_408 = arith.constant 0 : i32
      %dma_start3A_409 = tpu.memref_slice %arg14[%dma_start3A_406, %dma_start3A_408] : memref<32x128xf32, #tpu.memory_space<vmem>> -> memref<1x128xf32, #tpu.memory_space<vmem>>
      %dma_start3A_410 = tpu.memref_squeeze %dma_start3A_409 : memref<1x128xf32, #tpu.memory_space<vmem>> -> memref<128xf32, #tpu.memory_space<vmem>>
      %dma_start3A_411 = arith.constant 0 : i32
      %dma_start3A_412 = tpu.memref_slice %arg13[%dma_start3A_407, %dma_start3A_411] : memref<32x128xi32, #tpu.memory_space<vmem>> -> memref<1x128xi32, #tpu.memory_space<vmem>>
      %dma_start3A_413 = tpu.memref_squeeze %dma_start3A_412 : memref<1x128xi32, #tpu.memory_space<vmem>> -> memref<128xi32, #tpu.memory_space<vmem>>
      %dma_start3A_414 = arith.constant 0 : i32
      %dma_start3A_415 = tpu.memref_slice %arg8[%dma_start3A_414] : memref<16777216xf32, #tpu.memory_space<hbm>> -> memref<16777216xf32, #tpu.memory_space<hbm>>
      tpu.enqueue_indirect_dma source(%dma_start3A_410 : memref<128xf32, #tpu.memory_space<vmem>>) target(%dma_start3A_415 : memref<16777216xf32, #tpu.memory_space<hbm>>) offsets(%dma_start3A_413 : memref<128xi32, #tpu.memory_space<vmem>>) semaphore(%arg16 : memref<!tpu.dma_semaphore, #tpu.memory_space<semaphore_mem>>)
      %dma_start3A_416 = arith.constant 29 : i32
      %dma_start3A_417 = arith.constant 29 : i32
      %dma_start3A_418 = arith.constant 0 : i32
      %dma_start3A_419 = tpu.memref_slice %arg14[%dma_start3A_416, %dma_start3A_418] : memref<32x128xf32, #tpu.memory_space<vmem>> -> memref<1x128xf32, #tpu.memory_space<vmem>>
      %dma_start3A_420 = tpu.memref_squeeze %dma_start3A_419 : memref<1x128xf32, #tpu.memory_space<vmem>> -> memref<128xf32, #tpu.memory_space<vmem>>
      %dma_start3A_421 = arith.constant 0 : i32
      %dma_start3A_422 = tpu.memref_slice %arg13[%dma_start3A_417, %dma_start3A_421] : memref<32x128xi32, #tpu.memory_space<vmem>> -> memref<1x128xi32, #tpu.memory_space<vmem>>
      %dma_start3A_423 = tpu.memref_squeeze %dma_start3A_422 : memref<1x128xi32, #tpu.memory_space<vmem>> -> memref<128xi32, #tpu.memory_space<vmem>>
      %dma_start3A_424 = arith.constant 0 : i32
      %dma_start3A_425 = tpu.memref_slice %arg8[%dma_start3A_424] : memref<16777216xf32, #tpu.memory_space<hbm>> -> memref<16777216xf32, #tpu.memory_space<hbm>>
      tpu.enqueue_indirect_dma source(%dma_start3A_420 : memref<128xf32, #tpu.memory_space<vmem>>) target(%dma_start3A_425 : memref<16777216xf32, #tpu.memory_space<hbm>>) offsets(%dma_start3A_423 : memref<128xi32, #tpu.memory_space<vmem>>) semaphore(%arg16 : memref<!tpu.dma_semaphore, #tpu.memory_space<semaphore_mem>>)
      %dma_start3A_426 = arith.constant 30 : i32
      %dma_start3A_427 = arith.constant 30 : i32
      %dma_start3A_428 = arith.constant 0 : i32
      %dma_start3A_429 = tpu.memref_slice %arg14[%dma_start3A_426, %dma_start3A_428] : memref<32x128xf32, #tpu.memory_space<vmem>> -> memref<1x128xf32, #tpu.memory_space<vmem>>
      %dma_start3A_430 = tpu.memref_squeeze %dma_start3A_429 : memref<1x128xf32, #tpu.memory_space<vmem>> -> memref<128xf32, #tpu.memory_space<vmem>>
      %dma_start3A_431 = arith.constant 0 : i32
      %dma_start3A_432 = tpu.memref_slice %arg13[%dma_start3A_427, %dma_start3A_431] : memref<32x128xi32, #tpu.memory_space<vmem>> -> memref<1x128xi32, #tpu.memory_space<vmem>>
      %dma_start3A_433 = tpu.memref_squeeze %dma_start3A_432 : memref<1x128xi32, #tpu.memory_space<vmem>> -> memref<128xi32, #tpu.memory_space<vmem>>
      %dma_start3A_434 = arith.constant 0 : i32
      %dma_start3A_435 = tpu.memref_slice %arg8[%dma_start3A_434] : memref<16777216xf32, #tpu.memory_space<hbm>> -> memref<16777216xf32, #tpu.memory_space<hbm>>
      tpu.enqueue_indirect_dma source(%dma_start3A_430 : memref<128xf32, #tpu.memory_space<vmem>>) target(%dma_start3A_435 : memref<16777216xf32, #tpu.memory_space<hbm>>) offsets(%dma_start3A_433 : memref<128xi32, #tpu.memory_space<vmem>>) semaphore(%arg16 : memref<!tpu.dma_semaphore, #tpu.memory_space<semaphore_mem>>)
      %dma_start3A_436 = arith.constant 31 : i32
      %dma_start3A_437 = arith.constant 31 : i32
      %dma_start3A_438 = arith.constant 0 : i32
      %dma_start3A_439 = tpu.memref_slice %arg14[%dma_start3A_436, %dma_start3A_438] : memref<32x128xf32, #tpu.memory_space<vmem>> -> memref<1x128xf32, #tpu.memory_space<vmem>>
      %dma_start3A_440 = tpu.memref_squeeze %dma_start3A_439 : memref<1x128xf32, #tpu.memory_space<vmem>> -> memref<128xf32, #tpu.memory_space<vmem>>
      %dma_start3A_441 = arith.constant 0 : i32
      %dma_start3A_442 = tpu.memref_slice %arg13[%dma_start3A_437, %dma_start3A_441] : memref<32x128xi32, #tpu.memory_space<vmem>> -> memref<1x128xi32, #tpu.memory_space<vmem>>
      %dma_start3A_443 = tpu.memref_squeeze %dma_start3A_442 : memref<1x128xi32, #tpu.memory_space<vmem>> -> memref<128xi32, #tpu.memory_space<vmem>>
      %dma_start3A_444 = arith.constant 0 : i32
      %dma_start3A_445 = tpu.memref_slice %arg8[%dma_start3A_444] : memref<16777216xf32, #tpu.memory_space<hbm>> -> memref<16777216xf32, #tpu.memory_space<hbm>>
      tpu.enqueue_indirect_dma source(%dma_start3A_440 : memref<128xf32, #tpu.memory_space<vmem>>) target(%dma_start3A_445 : memref<16777216xf32, #tpu.memory_space<hbm>>) offsets(%dma_start3A_443 : memref<128xi32, #tpu.memory_space<vmem>>) semaphore(%arg16 : memref<!tpu.dma_semaphore, #tpu.memory_space<semaphore_mem>>)
      %dma_wait3A_446 = arith.constant 0 : i32
      %dma_wait3A_447 = arith.constant 0 : i32
      %dma_wait3A_448 = arith.constant 0 : i32
      %dma_wait3A_449 = tpu.memref_slice %arg14[%dma_wait3A_446, %dma_wait3A_448] : memref<32x128xf32, #tpu.memory_space<vmem>> -> memref<1x128xf32, #tpu.memory_space<vmem>>
      %dma_wait3A_450 = tpu.memref_squeeze %dma_wait3A_449 : memref<1x128xf32, #tpu.memory_space<vmem>> -> memref<128xf32, #tpu.memory_space<vmem>>
      %dma_wait3A_451 = arith.constant 0 : i32
      %dma_wait3A_452 = tpu.memref_slice %arg13[%dma_wait3A_447, %dma_wait3A_451] : memref<32x128xi32, #tpu.memory_space<vmem>> -> memref<1x128xi32, #tpu.memory_space<vmem>>
      %dma_wait3A_453 = tpu.memref_squeeze %dma_wait3A_452 : memref<1x128xi32, #tpu.memory_space<vmem>> -> memref<128xi32, #tpu.memory_space<vmem>>
      %dma_wait3A_454 = arith.constant 0 : i32
      %dma_wait3A_455 = tpu.memref_slice %arg8[%dma_wait3A_454] : memref<16777216xf32, #tpu.memory_space<hbm>> -> memref<16777216xf32, #tpu.memory_space<hbm>>
      tpu.wait_indirect_dma semaphore(%arg16 : memref<!tpu.dma_semaphore, #tpu.memory_space<semaphore_mem>>) src(%dma_wait3A_450 : memref<128xf32, #tpu.memory_space<vmem>>) dst(%dma_wait3A_455 : memref<16777216xf32, #tpu.memory_space<hbm>>)
      %dma_wait3A_456 = arith.constant 1 : i32
      %dma_wait3A_457 = arith.constant 1 : i32
      %dma_wait3A_458 = arith.constant 0 : i32
      %dma_wait3A_459 = tpu.memref_slice %arg14[%dma_wait3A_456, %dma_wait3A_458] : memref<32x128xf32, #tpu.memory_space<vmem>> -> memref<1x128xf32, #tpu.memory_space<vmem>>
      %dma_wait3A_460 = tpu.memref_squeeze %dma_wait3A_459 : memref<1x128xf32, #tpu.memory_space<vmem>> -> memref<128xf32, #tpu.memory_space<vmem>>
      %dma_wait3A_461 = arith.constant 0 : i32
      %dma_wait3A_462 = tpu.memref_slice %arg13[%dma_wait3A_457, %dma_wait3A_461] : memref<32x128xi32, #tpu.memory_space<vmem>> -> memref<1x128xi32, #tpu.memory_space<vmem>>
      %dma_wait3A_463 = tpu.memref_squeeze %dma_wait3A_462 : memref<1x128xi32, #tpu.memory_space<vmem>> -> memref<128xi32, #tpu.memory_space<vmem>>
      %dma_wait3A_464 = arith.constant 0 : i32
      %dma_wait3A_465 = tpu.memref_slice %arg8[%dma_wait3A_464] : memref<16777216xf32, #tpu.memory_space<hbm>> -> memref<16777216xf32, #tpu.memory_space<hbm>>
      tpu.wait_indirect_dma semaphore(%arg16 : memref<!tpu.dma_semaphore, #tpu.memory_space<semaphore_mem>>) src(%dma_wait3A_460 : memref<128xf32, #tpu.memory_space<vmem>>) dst(%dma_wait3A_465 : memref<16777216xf32, #tpu.memory_space<hbm>>)
      %dma_wait3A_466 = arith.constant 2 : i32
      %dma_wait3A_467 = arith.constant 2 : i32
      %dma_wait3A_468 = arith.constant 0 : i32
      %dma_wait3A_469 = tpu.memref_slice %arg14[%dma_wait3A_466, %dma_wait3A_468] : memref<32x128xf32, #tpu.memory_space<vmem>> -> memref<1x128xf32, #tpu.memory_space<vmem>>
      %dma_wait3A_470 = tpu.memref_squeeze %dma_wait3A_469 : memref<1x128xf32, #tpu.memory_space<vmem>> -> memref<128xf32, #tpu.memory_space<vmem>>
      %dma_wait3A_471 = arith.constant 0 : i32
      %dma_wait3A_472 = tpu.memref_slice %arg13[%dma_wait3A_467, %dma_wait3A_471] : memref<32x128xi32, #tpu.memory_space<vmem>> -> memref<1x128xi32, #tpu.memory_space<vmem>>
      %dma_wait3A_473 = tpu.memref_squeeze %dma_wait3A_472 : memref<1x128xi32, #tpu.memory_space<vmem>> -> memref<128xi32, #tpu.memory_space<vmem>>
      %dma_wait3A_474 = arith.constant 0 : i32
      %dma_wait3A_475 = tpu.memref_slice %arg8[%dma_wait3A_474] : memref<16777216xf32, #tpu.memory_space<hbm>> -> memref<16777216xf32, #tpu.memory_space<hbm>>
      tpu.wait_indirect_dma semaphore(%arg16 : memref<!tpu.dma_semaphore, #tpu.memory_space<semaphore_mem>>) src(%dma_wait3A_470 : memref<128xf32, #tpu.memory_space<vmem>>) dst(%dma_wait3A_475 : memref<16777216xf32, #tpu.memory_space<hbm>>)
      %dma_wait3A_476 = arith.constant 3 : i32
      %dma_wait3A_477 = arith.constant 3 : i32
      %dma_wait3A_478 = arith.constant 0 : i32
      %dma_wait3A_479 = tpu.memref_slice %arg14[%dma_wait3A_476, %dma_wait3A_478] : memref<32x128xf32, #tpu.memory_space<vmem>> -> memref<1x128xf32, #tpu.memory_space<vmem>>
      %dma_wait3A_480 = tpu.memref_squeeze %dma_wait3A_479 : memref<1x128xf32, #tpu.memory_space<vmem>> -> memref<128xf32, #tpu.memory_space<vmem>>
      %dma_wait3A_481 = arith.constant 0 : i32
      %dma_wait3A_482 = tpu.memref_slice %arg13[%dma_wait3A_477, %dma_wait3A_481] : memref<32x128xi32, #tpu.memory_space<vmem>> -> memref<1x128xi32, #tpu.memory_space<vmem>>
      %dma_wait3A_483 = tpu.memref_squeeze %dma_wait3A_482 : memref<1x128xi32, #tpu.memory_space<vmem>> -> memref<128xi32, #tpu.memory_space<vmem>>
      %dma_wait3A_484 = arith.constant 0 : i32
      %dma_wait3A_485 = tpu.memref_slice %arg8[%dma_wait3A_484] : memref<16777216xf32, #tpu.memory_space<hbm>> -> memref<16777216xf32, #tpu.memory_space<hbm>>
      tpu.wait_indirect_dma semaphore(%arg16 : memref<!tpu.dma_semaphore, #tpu.memory_space<semaphore_mem>>) src(%dma_wait3A_480 : memref<128xf32, #tpu.memory_space<vmem>>) dst(%dma_wait3A_485 : memref<16777216xf32, #tpu.memory_space<hbm>>)
      %dma_wait3A_486 = arith.constant 4 : i32
      %dma_wait3A_487 = arith.constant 4 : i32
      %dma_wait3A_488 = arith.constant 0 : i32
      %dma_wait3A_489 = tpu.memref_slice %arg14[%dma_wait3A_486, %dma_wait3A_488] : memref<32x128xf32, #tpu.memory_space<vmem>> -> memref<1x128xf32, #tpu.memory_space<vmem>>
      %dma_wait3A_490 = tpu.memref_squeeze %dma_wait3A_489 : memref<1x128xf32, #tpu.memory_space<vmem>> -> memref<128xf32, #tpu.memory_space<vmem>>
      %dma_wait3A_491 = arith.constant 0 : i32
      %dma_wait3A_492 = tpu.memref_slice %arg13[%dma_wait3A_487, %dma_wait3A_491] : memref<32x128xi32, #tpu.memory_space<vmem>> -> memref<1x128xi32, #tpu.memory_space<vmem>>
      %dma_wait3A_493 = tpu.memref_squeeze %dma_wait3A_492 : memref<1x128xi32, #tpu.memory_space<vmem>> -> memref<128xi32, #tpu.memory_space<vmem>>
      %dma_wait3A_494 = arith.constant 0 : i32
      %dma_wait3A_495 = tpu.memref_slice %arg8[%dma_wait3A_494] : memref<16777216xf32, #tpu.memory_space<hbm>> -> memref<16777216xf32, #tpu.memory_space<hbm>>
      tpu.wait_indirect_dma semaphore(%arg16 : memref<!tpu.dma_semaphore, #tpu.memory_space<semaphore_mem>>) src(%dma_wait3A_490 : memref<128xf32, #tpu.memory_space<vmem>>) dst(%dma_wait3A_495 : memref<16777216xf32, #tpu.memory_space<hbm>>)
      %dma_wait3A_496 = arith.constant 5 : i32
      %dma_wait3A_497 = arith.constant 5 : i32
      %dma_wait3A_498 = arith.constant 0 : i32
      %dma_wait3A_499 = tpu.memref_slice %arg14[%dma_wait3A_496, %dma_wait3A_498] : memref<32x128xf32, #tpu.memory_space<vmem>> -> memref<1x128xf32, #tpu.memory_space<vmem>>
      %dma_wait3A_500 = tpu.memref_squeeze %dma_wait3A_499 : memref<1x128xf32, #tpu.memory_space<vmem>> -> memref<128xf32, #tpu.memory_space<vmem>>
      %dma_wait3A_501 = arith.constant 0 : i32
      %dma_wait3A_502 = tpu.memref_slice %arg13[%dma_wait3A_497, %dma_wait3A_501] : memref<32x128xi32, #tpu.memory_space<vmem>> -> memref<1x128xi32, #tpu.memory_space<vmem>>
      %dma_wait3A_503 = tpu.memref_squeeze %dma_wait3A_502 : memref<1x128xi32, #tpu.memory_space<vmem>> -> memref<128xi32, #tpu.memory_space<vmem>>
      %dma_wait3A_504 = arith.constant 0 : i32
      %dma_wait3A_505 = tpu.memref_slice %arg8[%dma_wait3A_504] : memref<16777216xf32, #tpu.memory_space<hbm>> -> memref<16777216xf32, #tpu.memory_space<hbm>>
      tpu.wait_indirect_dma semaphore(%arg16 : memref<!tpu.dma_semaphore, #tpu.memory_space<semaphore_mem>>) src(%dma_wait3A_500 : memref<128xf32, #tpu.memory_space<vmem>>) dst(%dma_wait3A_505 : memref<16777216xf32, #tpu.memory_space<hbm>>)
      %dma_wait3A_506 = arith.constant 6 : i32
      %dma_wait3A_507 = arith.constant 6 : i32
      %dma_wait3A_508 = arith.constant 0 : i32
      %dma_wait3A_509 = tpu.memref_slice %arg14[%dma_wait3A_506, %dma_wait3A_508] : memref<32x128xf32, #tpu.memory_space<vmem>> -> memref<1x128xf32, #tpu.memory_space<vmem>>
      %dma_wait3A_510 = tpu.memref_squeeze %dma_wait3A_509 : memref<1x128xf32, #tpu.memory_space<vmem>> -> memref<128xf32, #tpu.memory_space<vmem>>
      %dma_wait3A_511 = arith.constant 0 : i32
      %dma_wait3A_512 = tpu.memref_slice %arg13[%dma_wait3A_507, %dma_wait3A_511] : memref<32x128xi32, #tpu.memory_space<vmem>> -> memref<1x128xi32, #tpu.memory_space<vmem>>
      %dma_wait3A_513 = tpu.memref_squeeze %dma_wait3A_512 : memref<1x128xi32, #tpu.memory_space<vmem>> -> memref<128xi32, #tpu.memory_space<vmem>>
      %dma_wait3A_514 = arith.constant 0 : i32
      %dma_wait3A_515 = tpu.memref_slice %arg8[%dma_wait3A_514] : memref<16777216xf32, #tpu.memory_space<hbm>> -> memref<16777216xf32, #tpu.memory_space<hbm>>
      tpu.wait_indirect_dma semaphore(%arg16 : memref<!tpu.dma_semaphore, #tpu.memory_space<semaphore_mem>>) src(%dma_wait3A_510 : memref<128xf32, #tpu.memory_space<vmem>>) dst(%dma_wait3A_515 : memref<16777216xf32, #tpu.memory_space<hbm>>)
      %dma_wait3A_516 = arith.constant 7 : i32
      %dma_wait3A_517 = arith.constant 7 : i32
      %dma_wait3A_518 = arith.constant 0 : i32
      %dma_wait3A_519 = tpu.memref_slice %arg14[%dma_wait3A_516, %dma_wait3A_518] : memref<32x128xf32, #tpu.memory_space<vmem>> -> memref<1x128xf32, #tpu.memory_space<vmem>>
      %dma_wait3A_520 = tpu.memref_squeeze %dma_wait3A_519 : memref<1x128xf32, #tpu.memory_space<vmem>> -> memref<128xf32, #tpu.memory_space<vmem>>
      %dma_wait3A_521 = arith.constant 0 : i32
      %dma_wait3A_522 = tpu.memref_slice %arg13[%dma_wait3A_517, %dma_wait3A_521] : memref<32x128xi32, #tpu.memory_space<vmem>> -> memref<1x128xi32, #tpu.memory_space<vmem>>
      %dma_wait3A_523 = tpu.memref_squeeze %dma_wait3A_522 : memref<1x128xi32, #tpu.memory_space<vmem>> -> memref<128xi32, #tpu.memory_space<vmem>>
      %dma_wait3A_524 = arith.constant 0 : i32
      %dma_wait3A_525 = tpu.memref_slice %arg8[%dma_wait3A_524] : memref<16777216xf32, #tpu.memory_space<hbm>> -> memref<16777216xf32, #tpu.memory_space<hbm>>
      tpu.wait_indirect_dma semaphore(%arg16 : memref<!tpu.dma_semaphore, #tpu.memory_space<semaphore_mem>>) src(%dma_wait3A_520 : memref<128xf32, #tpu.memory_space<vmem>>) dst(%dma_wait3A_525 : memref<16777216xf32, #tpu.memory_space<hbm>>)
      %dma_wait3A_526 = arith.constant 8 : i32
      %dma_wait3A_527 = arith.constant 8 : i32
      %dma_wait3A_528 = arith.constant 0 : i32
      %dma_wait3A_529 = tpu.memref_slice %arg14[%dma_wait3A_526, %dma_wait3A_528] : memref<32x128xf32, #tpu.memory_space<vmem>> -> memref<1x128xf32, #tpu.memory_space<vmem>>
      %dma_wait3A_530 = tpu.memref_squeeze %dma_wait3A_529 : memref<1x128xf32, #tpu.memory_space<vmem>> -> memref<128xf32, #tpu.memory_space<vmem>>
      %dma_wait3A_531 = arith.constant 0 : i32
      %dma_wait3A_532 = tpu.memref_slice %arg13[%dma_wait3A_527, %dma_wait3A_531] : memref<32x128xi32, #tpu.memory_space<vmem>> -> memref<1x128xi32, #tpu.memory_space<vmem>>
      %dma_wait3A_533 = tpu.memref_squeeze %dma_wait3A_532 : memref<1x128xi32, #tpu.memory_space<vmem>> -> memref<128xi32, #tpu.memory_space<vmem>>
      %dma_wait3A_534 = arith.constant 0 : i32
      %dma_wait3A_535 = tpu.memref_slice %arg8[%dma_wait3A_534] : memref<16777216xf32, #tpu.memory_space<hbm>> -> memref<16777216xf32, #tpu.memory_space<hbm>>
      tpu.wait_indirect_dma semaphore(%arg16 : memref<!tpu.dma_semaphore, #tpu.memory_space<semaphore_mem>>) src(%dma_wait3A_530 : memref<128xf32, #tpu.memory_space<vmem>>) dst(%dma_wait3A_535 : memref<16777216xf32, #tpu.memory_space<hbm>>)
      %dma_wait3A_536 = arith.constant 9 : i32
      %dma_wait3A_537 = arith.constant 9 : i32
      %dma_wait3A_538 = arith.constant 0 : i32
      %dma_wait3A_539 = tpu.memref_slice %arg14[%dma_wait3A_536, %dma_wait3A_538] : memref<32x128xf32, #tpu.memory_space<vmem>> -> memref<1x128xf32, #tpu.memory_space<vmem>>
      %dma_wait3A_540 = tpu.memref_squeeze %dma_wait3A_539 : memref<1x128xf32, #tpu.memory_space<vmem>> -> memref<128xf32, #tpu.memory_space<vmem>>
      %dma_wait3A_541 = arith.constant 0 : i32
      %dma_wait3A_542 = tpu.memref_slice %arg13[%dma_wait3A_537, %dma_wait3A_541] : memref<32x128xi32, #tpu.memory_space<vmem>> -> memref<1x128xi32, #tpu.memory_space<vmem>>
      %dma_wait3A_543 = tpu.memref_squeeze %dma_wait3A_542 : memref<1x128xi32, #tpu.memory_space<vmem>> -> memref<128xi32, #tpu.memory_space<vmem>>
      %dma_wait3A_544 = arith.constant 0 : i32
      %dma_wait3A_545 = tpu.memref_slice %arg8[%dma_wait3A_544] : memref<16777216xf32, #tpu.memory_space<hbm>> -> memref<16777216xf32, #tpu.memory_space<hbm>>
      tpu.wait_indirect_dma semaphore(%arg16 : memref<!tpu.dma_semaphore, #tpu.memory_space<semaphore_mem>>) src(%dma_wait3A_540 : memref<128xf32, #tpu.memory_space<vmem>>) dst(%dma_wait3A_545 : memref<16777216xf32, #tpu.memory_space<hbm>>)
      %dma_wait3A_546 = arith.constant 10 : i32
      %dma_wait3A_547 = arith.constant 10 : i32
      %dma_wait3A_548 = arith.constant 0 : i32
      %dma_wait3A_549 = tpu.memref_slice %arg14[%dma_wait3A_546, %dma_wait3A_548] : memref<32x128xf32, #tpu.memory_space<vmem>> -> memref<1x128xf32, #tpu.memory_space<vmem>>
      %dma_wait3A_550 = tpu.memref_squeeze %dma_wait3A_549 : memref<1x128xf32, #tpu.memory_space<vmem>> -> memref<128xf32, #tpu.memory_space<vmem>>
      %dma_wait3A_551 = arith.constant 0 : i32
      %dma_wait3A_552 = tpu.memref_slice %arg13[%dma_wait3A_547, %dma_wait3A_551] : memref<32x128xi32, #tpu.memory_space<vmem>> -> memref<1x128xi32, #tpu.memory_space<vmem>>
      %dma_wait3A_553 = tpu.memref_squeeze %dma_wait3A_552 : memref<1x128xi32, #tpu.memory_space<vmem>> -> memref<128xi32, #tpu.memory_space<vmem>>
      %dma_wait3A_554 = arith.constant 0 : i32
      %dma_wait3A_555 = tpu.memref_slice %arg8[%dma_wait3A_554] : memref<16777216xf32, #tpu.memory_space<hbm>> -> memref<16777216xf32, #tpu.memory_space<hbm>>
      tpu.wait_indirect_dma semaphore(%arg16 : memref<!tpu.dma_semaphore, #tpu.memory_space<semaphore_mem>>) src(%dma_wait3A_550 : memref<128xf32, #tpu.memory_space<vmem>>) dst(%dma_wait3A_555 : memref<16777216xf32, #tpu.memory_space<hbm>>)
      %dma_wait3A_556 = arith.constant 11 : i32
      %dma_wait3A_557 = arith.constant 11 : i32
      %dma_wait3A_558 = arith.constant 0 : i32
      %dma_wait3A_559 = tpu.memref_slice %arg14[%dma_wait3A_556, %dma_wait3A_558] : memref<32x128xf32, #tpu.memory_space<vmem>> -> memref<1x128xf32, #tpu.memory_space<vmem>>
      %dma_wait3A_560 = tpu.memref_squeeze %dma_wait3A_559 : memref<1x128xf32, #tpu.memory_space<vmem>> -> memref<128xf32, #tpu.memory_space<vmem>>
      %dma_wait3A_561 = arith.constant 0 : i32
      %dma_wait3A_562 = tpu.memref_slice %arg13[%dma_wait3A_557, %dma_wait3A_561] : memref<32x128xi32, #tpu.memory_space<vmem>> -> memref<1x128xi32, #tpu.memory_space<vmem>>
      %dma_wait3A_563 = tpu.memref_squeeze %dma_wait3A_562 : memref<1x128xi32, #tpu.memory_space<vmem>> -> memref<128xi32, #tpu.memory_space<vmem>>
      %dma_wait3A_564 = arith.constant 0 : i32
      %dma_wait3A_565 = tpu.memref_slice %arg8[%dma_wait3A_564] : memref<16777216xf32, #tpu.memory_space<hbm>> -> memref<16777216xf32, #tpu.memory_space<hbm>>
      tpu.wait_indirect_dma semaphore(%arg16 : memref<!tpu.dma_semaphore, #tpu.memory_space<semaphore_mem>>) src(%dma_wait3A_560 : memref<128xf32, #tpu.memory_space<vmem>>) dst(%dma_wait3A_565 : memref<16777216xf32, #tpu.memory_space<hbm>>)
      %dma_wait3A_566 = arith.constant 12 : i32
      %dma_wait3A_567 = arith.constant 12 : i32
      %dma_wait3A_568 = arith.constant 0 : i32
      %dma_wait3A_569 = tpu.memref_slice %arg14[%dma_wait3A_566, %dma_wait3A_568] : memref<32x128xf32, #tpu.memory_space<vmem>> -> memref<1x128xf32, #tpu.memory_space<vmem>>
      %dma_wait3A_570 = tpu.memref_squeeze %dma_wait3A_569 : memref<1x128xf32, #tpu.memory_space<vmem>> -> memref<128xf32, #tpu.memory_space<vmem>>
      %dma_wait3A_571 = arith.constant 0 : i32
      %dma_wait3A_572 = tpu.memref_slice %arg13[%dma_wait3A_567, %dma_wait3A_571] : memref<32x128xi32, #tpu.memory_space<vmem>> -> memref<1x128xi32, #tpu.memory_space<vmem>>
      %dma_wait3A_573 = tpu.memref_squeeze %dma_wait3A_572 : memref<1x128xi32, #tpu.memory_space<vmem>> -> memref<128xi32, #tpu.memory_space<vmem>>
      %dma_wait3A_574 = arith.constant 0 : i32
      %dma_wait3A_575 = tpu.memref_slice %arg8[%dma_wait3A_574] : memref<16777216xf32, #tpu.memory_space<hbm>> -> memref<16777216xf32, #tpu.memory_space<hbm>>
      tpu.wait_indirect_dma semaphore(%arg16 : memref<!tpu.dma_semaphore, #tpu.memory_space<semaphore_mem>>) src(%dma_wait3A_570 : memref<128xf32, #tpu.memory_space<vmem>>) dst(%dma_wait3A_575 : memref<16777216xf32, #tpu.memory_space<hbm>>)
      %dma_wait3A_576 = arith.constant 13 : i32
      %dma_wait3A_577 = arith.constant 13 : i32
      %dma_wait3A_578 = arith.constant 0 : i32
      %dma_wait3A_579 = tpu.memref_slice %arg14[%dma_wait3A_576, %dma_wait3A_578] : memref<32x128xf32, #tpu.memory_space<vmem>> -> memref<1x128xf32, #tpu.memory_space<vmem>>
      %dma_wait3A_580 = tpu.memref_squeeze %dma_wait3A_579 : memref<1x128xf32, #tpu.memory_space<vmem>> -> memref<128xf32, #tpu.memory_space<vmem>>
      %dma_wait3A_581 = arith.constant 0 : i32
      %dma_wait3A_582 = tpu.memref_slice %arg13[%dma_wait3A_577, %dma_wait3A_581] : memref<32x128xi32, #tpu.memory_space<vmem>> -> memref<1x128xi32, #tpu.memory_space<vmem>>
      %dma_wait3A_583 = tpu.memref_squeeze %dma_wait3A_582 : memref<1x128xi32, #tpu.memory_space<vmem>> -> memref<128xi32, #tpu.memory_space<vmem>>
      %dma_wait3A_584 = arith.constant 0 : i32
      %dma_wait3A_585 = tpu.memref_slice %arg8[%dma_wait3A_584] : memref<16777216xf32, #tpu.memory_space<hbm>> -> memref<16777216xf32, #tpu.memory_space<hbm>>
      tpu.wait_indirect_dma semaphore(%arg16 : memref<!tpu.dma_semaphore, #tpu.memory_space<semaphore_mem>>) src(%dma_wait3A_580 : memref<128xf32, #tpu.memory_space<vmem>>) dst(%dma_wait3A_585 : memref<16777216xf32, #tpu.memory_space<hbm>>)
      %dma_wait3A_586 = arith.constant 14 : i32
      %dma_wait3A_587 = arith.constant 14 : i32
      %dma_wait3A_588 = arith.constant 0 : i32
      %dma_wait3A_589 = tpu.memref_slice %arg14[%dma_wait3A_586, %dma_wait3A_588] : memref<32x128xf32, #tpu.memory_space<vmem>> -> memref<1x128xf32, #tpu.memory_space<vmem>>
      %dma_wait3A_590 = tpu.memref_squeeze %dma_wait3A_589 : memref<1x128xf32, #tpu.memory_space<vmem>> -> memref<128xf32, #tpu.memory_space<vmem>>
      %dma_wait3A_591 = arith.constant 0 : i32
      %dma_wait3A_592 = tpu.memref_slice %arg13[%dma_wait3A_587, %dma_wait3A_591] : memref<32x128xi32, #tpu.memory_space<vmem>> -> memref<1x128xi32, #tpu.memory_space<vmem>>
      %dma_wait3A_593 = tpu.memref_squeeze %dma_wait3A_592 : memref<1x128xi32, #tpu.memory_space<vmem>> -> memref<128xi32, #tpu.memory_space<vmem>>
      %dma_wait3A_594 = arith.constant 0 : i32
      %dma_wait3A_595 = tpu.memref_slice %arg8[%dma_wait3A_594] : memref<16777216xf32, #tpu.memory_space<hbm>> -> memref<16777216xf32, #tpu.memory_space<hbm>>
      tpu.wait_indirect_dma semaphore(%arg16 : memref<!tpu.dma_semaphore, #tpu.memory_space<semaphore_mem>>) src(%dma_wait3A_590 : memref<128xf32, #tpu.memory_space<vmem>>) dst(%dma_wait3A_595 : memref<16777216xf32, #tpu.memory_space<hbm>>)
      %dma_wait3A_596 = arith.constant 15 : i32
      %dma_wait3A_597 = arith.constant 15 : i32
      %dma_wait3A_598 = arith.constant 0 : i32
      %dma_wait3A_599 = tpu.memref_slice %arg14[%dma_wait3A_596, %dma_wait3A_598] : memref<32x128xf32, #tpu.memory_space<vmem>> -> memref<1x128xf32, #tpu.memory_space<vmem>>
      %dma_wait3A_600 = tpu.memref_squeeze %dma_wait3A_599 : memref<1x128xf32, #tpu.memory_space<vmem>> -> memref<128xf32, #tpu.memory_space<vmem>>
      %dma_wait3A_601 = arith.constant 0 : i32
      %dma_wait3A_602 = tpu.memref_slice %arg13[%dma_wait3A_597, %dma_wait3A_601] : memref<32x128xi32, #tpu.memory_space<vmem>> -> memref<1x128xi32, #tpu.memory_space<vmem>>
      %dma_wait3A_603 = tpu.memref_squeeze %dma_wait3A_602 : memref<1x128xi32, #tpu.memory_space<vmem>> -> memref<128xi32, #tpu.memory_space<vmem>>
      %dma_wait3A_604 = arith.constant 0 : i32
      %dma_wait3A_605 = tpu.memref_slice %arg8[%dma_wait3A_604] : memref<16777216xf32, #tpu.memory_space<hbm>> -> memref<16777216xf32, #tpu.memory_space<hbm>>
      tpu.wait_indirect_dma semaphore(%arg16 : memref<!tpu.dma_semaphore, #tpu.memory_space<semaphore_mem>>) src(%dma_wait3A_600 : memref<128xf32, #tpu.memory_space<vmem>>) dst(%dma_wait3A_605 : memref<16777216xf32, #tpu.memory_space<hbm>>)
      %dma_wait3A_606 = arith.constant 16 : i32
      %dma_wait3A_607 = arith.constant 16 : i32
      %dma_wait3A_608 = arith.constant 0 : i32
      %dma_wait3A_609 = tpu.memref_slice %arg14[%dma_wait3A_606, %dma_wait3A_608] : memref<32x128xf32, #tpu.memory_space<vmem>> -> memref<1x128xf32, #tpu.memory_space<vmem>>
      %dma_wait3A_610 = tpu.memref_squeeze %dma_wait3A_609 : memref<1x128xf32, #tpu.memory_space<vmem>> -> memref<128xf32, #tpu.memory_space<vmem>>
      %dma_wait3A_611 = arith.constant 0 : i32
      %dma_wait3A_612 = tpu.memref_slice %arg13[%dma_wait3A_607, %dma_wait3A_611] : memref<32x128xi32, #tpu.memory_space<vmem>> -> memref<1x128xi32, #tpu.memory_space<vmem>>
      %dma_wait3A_613 = tpu.memref_squeeze %dma_wait3A_612 : memref<1x128xi32, #tpu.memory_space<vmem>> -> memref<128xi32, #tpu.memory_space<vmem>>
      %dma_wait3A_614 = arith.constant 0 : i32
      %dma_wait3A_615 = tpu.memref_slice %arg8[%dma_wait3A_614] : memref<16777216xf32, #tpu.memory_space<hbm>> -> memref<16777216xf32, #tpu.memory_space<hbm>>
      tpu.wait_indirect_dma semaphore(%arg16 : memref<!tpu.dma_semaphore, #tpu.memory_space<semaphore_mem>>) src(%dma_wait3A_610 : memref<128xf32, #tpu.memory_space<vmem>>) dst(%dma_wait3A_615 : memref<16777216xf32, #tpu.memory_space<hbm>>)
      %dma_wait3A_616 = arith.constant 17 : i32
      %dma_wait3A_617 = arith.constant 17 : i32
      %dma_wait3A_618 = arith.constant 0 : i32
      %dma_wait3A_619 = tpu.memref_slice %arg14[%dma_wait3A_616, %dma_wait3A_618] : memref<32x128xf32, #tpu.memory_space<vmem>> -> memref<1x128xf32, #tpu.memory_space<vmem>>
      %dma_wait3A_620 = tpu.memref_squeeze %dma_wait3A_619 : memref<1x128xf32, #tpu.memory_space<vmem>> -> memref<128xf32, #tpu.memory_space<vmem>>
      %dma_wait3A_621 = arith.constant 0 : i32
      %dma_wait3A_622 = tpu.memref_slice %arg13[%dma_wait3A_617, %dma_wait3A_621] : memref<32x128xi32, #tpu.memory_space<vmem>> -> memref<1x128xi32, #tpu.memory_space<vmem>>
      %dma_wait3A_623 = tpu.memref_squeeze %dma_wait3A_622 : memref<1x128xi32, #tpu.memory_space<vmem>> -> memref<128xi32, #tpu.memory_space<vmem>>
      %dma_wait3A_624 = arith.constant 0 : i32
      %dma_wait3A_625 = tpu.memref_slice %arg8[%dma_wait3A_624] : memref<16777216xf32, #tpu.memory_space<hbm>> -> memref<16777216xf32, #tpu.memory_space<hbm>>
      tpu.wait_indirect_dma semaphore(%arg16 : memref<!tpu.dma_semaphore, #tpu.memory_space<semaphore_mem>>) src(%dma_wait3A_620 : memref<128xf32, #tpu.memory_space<vmem>>) dst(%dma_wait3A_625 : memref<16777216xf32, #tpu.memory_space<hbm>>)
      %dma_wait3A_626 = arith.constant 18 : i32
      %dma_wait3A_627 = arith.constant 18 : i32
      %dma_wait3A_628 = arith.constant 0 : i32
      %dma_wait3A_629 = tpu.memref_slice %arg14[%dma_wait3A_626, %dma_wait3A_628] : memref<32x128xf32, #tpu.memory_space<vmem>> -> memref<1x128xf32, #tpu.memory_space<vmem>>
      %dma_wait3A_630 = tpu.memref_squeeze %dma_wait3A_629 : memref<1x128xf32, #tpu.memory_space<vmem>> -> memref<128xf32, #tpu.memory_space<vmem>>
      %dma_wait3A_631 = arith.constant 0 : i32
      %dma_wait3A_632 = tpu.memref_slice %arg13[%dma_wait3A_627, %dma_wait3A_631] : memref<32x128xi32, #tpu.memory_space<vmem>> -> memref<1x128xi32, #tpu.memory_space<vmem>>
      %dma_wait3A_633 = tpu.memref_squeeze %dma_wait3A_632 : memref<1x128xi32, #tpu.memory_space<vmem>> -> memref<128xi32, #tpu.memory_space<vmem>>
      %dma_wait3A_634 = arith.constant 0 : i32
      %dma_wait3A_635 = tpu.memref_slice %arg8[%dma_wait3A_634] : memref<16777216xf32, #tpu.memory_space<hbm>> -> memref<16777216xf32, #tpu.memory_space<hbm>>
      tpu.wait_indirect_dma semaphore(%arg16 : memref<!tpu.dma_semaphore, #tpu.memory_space<semaphore_mem>>) src(%dma_wait3A_630 : memref<128xf32, #tpu.memory_space<vmem>>) dst(%dma_wait3A_635 : memref<16777216xf32, #tpu.memory_space<hbm>>)
      %dma_wait3A_636 = arith.constant 19 : i32
      %dma_wait3A_637 = arith.constant 19 : i32
      %dma_wait3A_638 = arith.constant 0 : i32
      %dma_wait3A_639 = tpu.memref_slice %arg14[%dma_wait3A_636, %dma_wait3A_638] : memref<32x128xf32, #tpu.memory_space<vmem>> -> memref<1x128xf32, #tpu.memory_space<vmem>>
      %dma_wait3A_640 = tpu.memref_squeeze %dma_wait3A_639 : memref<1x128xf32, #tpu.memory_space<vmem>> -> memref<128xf32, #tpu.memory_space<vmem>>
      %dma_wait3A_641 = arith.constant 0 : i32
      %dma_wait3A_642 = tpu.memref_slice %arg13[%dma_wait3A_637, %dma_wait3A_641] : memref<32x128xi32, #tpu.memory_space<vmem>> -> memref<1x128xi32, #tpu.memory_space<vmem>>
      %dma_wait3A_643 = tpu.memref_squeeze %dma_wait3A_642 : memref<1x128xi32, #tpu.memory_space<vmem>> -> memref<128xi32, #tpu.memory_space<vmem>>
      %dma_wait3A_644 = arith.constant 0 : i32
      %dma_wait3A_645 = tpu.memref_slice %arg8[%dma_wait3A_644] : memref<16777216xf32, #tpu.memory_space<hbm>> -> memref<16777216xf32, #tpu.memory_space<hbm>>
      tpu.wait_indirect_dma semaphore(%arg16 : memref<!tpu.dma_semaphore, #tpu.memory_space<semaphore_mem>>) src(%dma_wait3A_640 : memref<128xf32, #tpu.memory_space<vmem>>) dst(%dma_wait3A_645 : memref<16777216xf32, #tpu.memory_space<hbm>>)
      %dma_wait3A_646 = arith.constant 20 : i32
      %dma_wait3A_647 = arith.constant 20 : i32
      %dma_wait3A_648 = arith.constant 0 : i32
      %dma_wait3A_649 = tpu.memref_slice %arg14[%dma_wait3A_646, %dma_wait3A_648] : memref<32x128xf32, #tpu.memory_space<vmem>> -> memref<1x128xf32, #tpu.memory_space<vmem>>
      %dma_wait3A_650 = tpu.memref_squeeze %dma_wait3A_649 : memref<1x128xf32, #tpu.memory_space<vmem>> -> memref<128xf32, #tpu.memory_space<vmem>>
      %dma_wait3A_651 = arith.constant 0 : i32
      %dma_wait3A_652 = tpu.memref_slice %arg13[%dma_wait3A_647, %dma_wait3A_651] : memref<32x128xi32, #tpu.memory_space<vmem>> -> memref<1x128xi32, #tpu.memory_space<vmem>>
      %dma_wait3A_653 = tpu.memref_squeeze %dma_wait3A_652 : memref<1x128xi32, #tpu.memory_space<vmem>> -> memref<128xi32, #tpu.memory_space<vmem>>
      %dma_wait3A_654 = arith.constant 0 : i32
      %dma_wait3A_655 = tpu.memref_slice %arg8[%dma_wait3A_654] : memref<16777216xf32, #tpu.memory_space<hbm>> -> memref<16777216xf32, #tpu.memory_space<hbm>>
      tpu.wait_indirect_dma semaphore(%arg16 : memref<!tpu.dma_semaphore, #tpu.memory_space<semaphore_mem>>) src(%dma_wait3A_650 : memref<128xf32, #tpu.memory_space<vmem>>) dst(%dma_wait3A_655 : memref<16777216xf32, #tpu.memory_space<hbm>>)
      %dma_wait3A_656 = arith.constant 21 : i32
      %dma_wait3A_657 = arith.constant 21 : i32
      %dma_wait3A_658 = arith.constant 0 : i32
      %dma_wait3A_659 = tpu.memref_slice %arg14[%dma_wait3A_656, %dma_wait3A_658] : memref<32x128xf32, #tpu.memory_space<vmem>> -> memref<1x128xf32, #tpu.memory_space<vmem>>
      %dma_wait3A_660 = tpu.memref_squeeze %dma_wait3A_659 : memref<1x128xf32, #tpu.memory_space<vmem>> -> memref<128xf32, #tpu.memory_space<vmem>>
      %dma_wait3A_661 = arith.constant 0 : i32
      %dma_wait3A_662 = tpu.memref_slice %arg13[%dma_wait3A_657, %dma_wait3A_661] : memref<32x128xi32, #tpu.memory_space<vmem>> -> memref<1x128xi32, #tpu.memory_space<vmem>>
      %dma_wait3A_663 = tpu.memref_squeeze %dma_wait3A_662 : memref<1x128xi32, #tpu.memory_space<vmem>> -> memref<128xi32, #tpu.memory_space<vmem>>
      %dma_wait3A_664 = arith.constant 0 : i32
      %dma_wait3A_665 = tpu.memref_slice %arg8[%dma_wait3A_664] : memref<16777216xf32, #tpu.memory_space<hbm>> -> memref<16777216xf32, #tpu.memory_space<hbm>>
      tpu.wait_indirect_dma semaphore(%arg16 : memref<!tpu.dma_semaphore, #tpu.memory_space<semaphore_mem>>) src(%dma_wait3A_660 : memref<128xf32, #tpu.memory_space<vmem>>) dst(%dma_wait3A_665 : memref<16777216xf32, #tpu.memory_space<hbm>>)
      %dma_wait3A_666 = arith.constant 22 : i32
      %dma_wait3A_667 = arith.constant 22 : i32
      %dma_wait3A_668 = arith.constant 0 : i32
      %dma_wait3A_669 = tpu.memref_slice %arg14[%dma_wait3A_666, %dma_wait3A_668] : memref<32x128xf32, #tpu.memory_space<vmem>> -> memref<1x128xf32, #tpu.memory_space<vmem>>
      %dma_wait3A_670 = tpu.memref_squeeze %dma_wait3A_669 : memref<1x128xf32, #tpu.memory_space<vmem>> -> memref<128xf32, #tpu.memory_space<vmem>>
      %dma_wait3A_671 = arith.constant 0 : i32
      %dma_wait3A_672 = tpu.memref_slice %arg13[%dma_wait3A_667, %dma_wait3A_671] : memref<32x128xi32, #tpu.memory_space<vmem>> -> memref<1x128xi32, #tpu.memory_space<vmem>>
      %dma_wait3A_673 = tpu.memref_squeeze %dma_wait3A_672 : memref<1x128xi32, #tpu.memory_space<vmem>> -> memref<128xi32, #tpu.memory_space<vmem>>
      %dma_wait3A_674 = arith.constant 0 : i32
      %dma_wait3A_675 = tpu.memref_slice %arg8[%dma_wait3A_674] : memref<16777216xf32, #tpu.memory_space<hbm>> -> memref<16777216xf32, #tpu.memory_space<hbm>>
      tpu.wait_indirect_dma semaphore(%arg16 : memref<!tpu.dma_semaphore, #tpu.memory_space<semaphore_mem>>) src(%dma_wait3A_670 : memref<128xf32, #tpu.memory_space<vmem>>) dst(%dma_wait3A_675 : memref<16777216xf32, #tpu.memory_space<hbm>>)
      %dma_wait3A_676 = arith.constant 23 : i32
      %dma_wait3A_677 = arith.constant 23 : i32
      %dma_wait3A_678 = arith.constant 0 : i32
      %dma_wait3A_679 = tpu.memref_slice %arg14[%dma_wait3A_676, %dma_wait3A_678] : memref<32x128xf32, #tpu.memory_space<vmem>> -> memref<1x128xf32, #tpu.memory_space<vmem>>
      %dma_wait3A_680 = tpu.memref_squeeze %dma_wait3A_679 : memref<1x128xf32, #tpu.memory_space<vmem>> -> memref<128xf32, #tpu.memory_space<vmem>>
      %dma_wait3A_681 = arith.constant 0 : i32
      %dma_wait3A_682 = tpu.memref_slice %arg13[%dma_wait3A_677, %dma_wait3A_681] : memref<32x128xi32, #tpu.memory_space<vmem>> -> memref<1x128xi32, #tpu.memory_space<vmem>>
      %dma_wait3A_683 = tpu.memref_squeeze %dma_wait3A_682 : memref<1x128xi32, #tpu.memory_space<vmem>> -> memref<128xi32, #tpu.memory_space<vmem>>
      %dma_wait3A_684 = arith.constant 0 : i32
      %dma_wait3A_685 = tpu.memref_slice %arg8[%dma_wait3A_684] : memref<16777216xf32, #tpu.memory_space<hbm>> -> memref<16777216xf32, #tpu.memory_space<hbm>>
      tpu.wait_indirect_dma semaphore(%arg16 : memref<!tpu.dma_semaphore, #tpu.memory_space<semaphore_mem>>) src(%dma_wait3A_680 : memref<128xf32, #tpu.memory_space<vmem>>) dst(%dma_wait3A_685 : memref<16777216xf32, #tpu.memory_space<hbm>>)
      %dma_wait3A_686 = arith.constant 24 : i32
      %dma_wait3A_687 = arith.constant 24 : i32
      %dma_wait3A_688 = arith.constant 0 : i32
      %dma_wait3A_689 = tpu.memref_slice %arg14[%dma_wait3A_686, %dma_wait3A_688] : memref<32x128xf32, #tpu.memory_space<vmem>> -> memref<1x128xf32, #tpu.memory_space<vmem>>
      %dma_wait3A_690 = tpu.memref_squeeze %dma_wait3A_689 : memref<1x128xf32, #tpu.memory_space<vmem>> -> memref<128xf32, #tpu.memory_space<vmem>>
      %dma_wait3A_691 = arith.constant 0 : i32
      %dma_wait3A_692 = tpu.memref_slice %arg13[%dma_wait3A_687, %dma_wait3A_691] : memref<32x128xi32, #tpu.memory_space<vmem>> -> memref<1x128xi32, #tpu.memory_space<vmem>>
      %dma_wait3A_693 = tpu.memref_squeeze %dma_wait3A_692 : memref<1x128xi32, #tpu.memory_space<vmem>> -> memref<128xi32, #tpu.memory_space<vmem>>
      %dma_wait3A_694 = arith.constant 0 : i32
      %dma_wait3A_695 = tpu.memref_slice %arg8[%dma_wait3A_694] : memref<16777216xf32, #tpu.memory_space<hbm>> -> memref<16777216xf32, #tpu.memory_space<hbm>>
      tpu.wait_indirect_dma semaphore(%arg16 : memref<!tpu.dma_semaphore, #tpu.memory_space<semaphore_mem>>) src(%dma_wait3A_690 : memref<128xf32, #tpu.memory_space<vmem>>) dst(%dma_wait3A_695 : memref<16777216xf32, #tpu.memory_space<hbm>>)
      %dma_wait3A_696 = arith.constant 25 : i32
      %dma_wait3A_697 = arith.constant 25 : i32
      %dma_wait3A_698 = arith.constant 0 : i32
      %dma_wait3A_699 = tpu.memref_slice %arg14[%dma_wait3A_696, %dma_wait3A_698] : memref<32x128xf32, #tpu.memory_space<vmem>> -> memref<1x128xf32, #tpu.memory_space<vmem>>
      %dma_wait3A_700 = tpu.memref_squeeze %dma_wait3A_699 : memref<1x128xf32, #tpu.memory_space<vmem>> -> memref<128xf32, #tpu.memory_space<vmem>>
      %dma_wait3A_701 = arith.constant 0 : i32
      %dma_wait3A_702 = tpu.memref_slice %arg13[%dma_wait3A_697, %dma_wait3A_701] : memref<32x128xi32, #tpu.memory_space<vmem>> -> memref<1x128xi32, #tpu.memory_space<vmem>>
      %dma_wait3A_703 = tpu.memref_squeeze %dma_wait3A_702 : memref<1x128xi32, #tpu.memory_space<vmem>> -> memref<128xi32, #tpu.memory_space<vmem>>
      %dma_wait3A_704 = arith.constant 0 : i32
      %dma_wait3A_705 = tpu.memref_slice %arg8[%dma_wait3A_704] : memref<16777216xf32, #tpu.memory_space<hbm>> -> memref<16777216xf32, #tpu.memory_space<hbm>>
      tpu.wait_indirect_dma semaphore(%arg16 : memref<!tpu.dma_semaphore, #tpu.memory_space<semaphore_mem>>) src(%dma_wait3A_700 : memref<128xf32, #tpu.memory_space<vmem>>) dst(%dma_wait3A_705 : memref<16777216xf32, #tpu.memory_space<hbm>>)
      %dma_wait3A_706 = arith.constant 26 : i32
      %dma_wait3A_707 = arith.constant 26 : i32
      %dma_wait3A_708 = arith.constant 0 : i32
      %dma_wait3A_709 = tpu.memref_slice %arg14[%dma_wait3A_706, %dma_wait3A_708] : memref<32x128xf32, #tpu.memory_space<vmem>> -> memref<1x128xf32, #tpu.memory_space<vmem>>
      %dma_wait3A_710 = tpu.memref_squeeze %dma_wait3A_709 : memref<1x128xf32, #tpu.memory_space<vmem>> -> memref<128xf32, #tpu.memory_space<vmem>>
      %dma_wait3A_711 = arith.constant 0 : i32
      %dma_wait3A_712 = tpu.memref_slice %arg13[%dma_wait3A_707, %dma_wait3A_711] : memref<32x128xi32, #tpu.memory_space<vmem>> -> memref<1x128xi32, #tpu.memory_space<vmem>>
      %dma_wait3A_713 = tpu.memref_squeeze %dma_wait3A_712 : memref<1x128xi32, #tpu.memory_space<vmem>> -> memref<128xi32, #tpu.memory_space<vmem>>
      %dma_wait3A_714 = arith.constant 0 : i32
      %dma_wait3A_715 = tpu.memref_slice %arg8[%dma_wait3A_714] : memref<16777216xf32, #tpu.memory_space<hbm>> -> memref<16777216xf32, #tpu.memory_space<hbm>>
      tpu.wait_indirect_dma semaphore(%arg16 : memref<!tpu.dma_semaphore, #tpu.memory_space<semaphore_mem>>) src(%dma_wait3A_710 : memref<128xf32, #tpu.memory_space<vmem>>) dst(%dma_wait3A_715 : memref<16777216xf32, #tpu.memory_space<hbm>>)
      %dma_wait3A_716 = arith.constant 27 : i32
      %dma_wait3A_717 = arith.constant 27 : i32
      %dma_wait3A_718 = arith.constant 0 : i32
      %dma_wait3A_719 = tpu.memref_slice %arg14[%dma_wait3A_716, %dma_wait3A_718] : memref<32x128xf32, #tpu.memory_space<vmem>> -> memref<1x128xf32, #tpu.memory_space<vmem>>
      %dma_wait3A_720 = tpu.memref_squeeze %dma_wait3A_719 : memref<1x128xf32, #tpu.memory_space<vmem>> -> memref<128xf32, #tpu.memory_space<vmem>>
      %dma_wait3A_721 = arith.constant 0 : i32
      %dma_wait3A_722 = tpu.memref_slice %arg13[%dma_wait3A_717, %dma_wait3A_721] : memref<32x128xi32, #tpu.memory_space<vmem>> -> memref<1x128xi32, #tpu.memory_space<vmem>>
      %dma_wait3A_723 = tpu.memref_squeeze %dma_wait3A_722 : memref<1x128xi32, #tpu.memory_space<vmem>> -> memref<128xi32, #tpu.memory_space<vmem>>
      %dma_wait3A_724 = arith.constant 0 : i32
      %dma_wait3A_725 = tpu.memref_slice %arg8[%dma_wait3A_724] : memref<16777216xf32, #tpu.memory_space<hbm>> -> memref<16777216xf32, #tpu.memory_space<hbm>>
      tpu.wait_indirect_dma semaphore(%arg16 : memref<!tpu.dma_semaphore, #tpu.memory_space<semaphore_mem>>) src(%dma_wait3A_720 : memref<128xf32, #tpu.memory_space<vmem>>) dst(%dma_wait3A_725 : memref<16777216xf32, #tpu.memory_space<hbm>>)
      %dma_wait3A_726 = arith.constant 28 : i32
      %dma_wait3A_727 = arith.constant 28 : i32
      %dma_wait3A_728 = arith.constant 0 : i32
      %dma_wait3A_729 = tpu.memref_slice %arg14[%dma_wait3A_726, %dma_wait3A_728] : memref<32x128xf32, #tpu.memory_space<vmem>> -> memref<1x128xf32, #tpu.memory_space<vmem>>
      %dma_wait3A_730 = tpu.memref_squeeze %dma_wait3A_729 : memref<1x128xf32, #tpu.memory_space<vmem>> -> memref<128xf32, #tpu.memory_space<vmem>>
      %dma_wait3A_731 = arith.constant 0 : i32
      %dma_wait3A_732 = tpu.memref_slice %arg13[%dma_wait3A_727, %dma_wait3A_731] : memref<32x128xi32, #tpu.memory_space<vmem>> -> memref<1x128xi32, #tpu.memory_space<vmem>>
      %dma_wait3A_733 = tpu.memref_squeeze %dma_wait3A_732 : memref<1x128xi32, #tpu.memory_space<vmem>> -> memref<128xi32, #tpu.memory_space<vmem>>
      %dma_wait3A_734 = arith.constant 0 : i32
      %dma_wait3A_735 = tpu.memref_slice %arg8[%dma_wait3A_734] : memref<16777216xf32, #tpu.memory_space<hbm>> -> memref<16777216xf32, #tpu.memory_space<hbm>>
      tpu.wait_indirect_dma semaphore(%arg16 : memref<!tpu.dma_semaphore, #tpu.memory_space<semaphore_mem>>) src(%dma_wait3A_730 : memref<128xf32, #tpu.memory_space<vmem>>) dst(%dma_wait3A_735 : memref<16777216xf32, #tpu.memory_space<hbm>>)
      %dma_wait3A_736 = arith.constant 29 : i32
      %dma_wait3A_737 = arith.constant 29 : i32
      %dma_wait3A_738 = arith.constant 0 : i32
      %dma_wait3A_739 = tpu.memref_slice %arg14[%dma_wait3A_736, %dma_wait3A_738] : memref<32x128xf32, #tpu.memory_space<vmem>> -> memref<1x128xf32, #tpu.memory_space<vmem>>
      %dma_wait3A_740 = tpu.memref_squeeze %dma_wait3A_739 : memref<1x128xf32, #tpu.memory_space<vmem>> -> memref<128xf32, #tpu.memory_space<vmem>>
      %dma_wait3A_741 = arith.constant 0 : i32
      %dma_wait3A_742 = tpu.memref_slice %arg13[%dma_wait3A_737, %dma_wait3A_741] : memref<32x128xi32, #tpu.memory_space<vmem>> -> memref<1x128xi32, #tpu.memory_space<vmem>>
      %dma_wait3A_743 = tpu.memref_squeeze %dma_wait3A_742 : memref<1x128xi32, #tpu.memory_space<vmem>> -> memref<128xi32, #tpu.memory_space<vmem>>
      %dma_wait3A_744 = arith.constant 0 : i32
      %dma_wait3A_745 = tpu.memref_slice %arg8[%dma_wait3A_744] : memref<16777216xf32, #tpu.memory_space<hbm>> -> memref<16777216xf32, #tpu.memory_space<hbm>>
      tpu.wait_indirect_dma semaphore(%arg16 : memref<!tpu.dma_semaphore, #tpu.memory_space<semaphore_mem>>) src(%dma_wait3A_740 : memref<128xf32, #tpu.memory_space<vmem>>) dst(%dma_wait3A_745 : memref<16777216xf32, #tpu.memory_space<hbm>>)
      %dma_wait3A_746 = arith.constant 30 : i32
      %dma_wait3A_747 = arith.constant 30 : i32
      %dma_wait3A_748 = arith.constant 0 : i32
      %dma_wait3A_749 = tpu.memref_slice %arg14[%dma_wait3A_746, %dma_wait3A_748] : memref<32x128xf32, #tpu.memory_space<vmem>> -> memref<1x128xf32, #tpu.memory_space<vmem>>
      %dma_wait3A_750 = tpu.memref_squeeze %dma_wait3A_749 : memref<1x128xf32, #tpu.memory_space<vmem>> -> memref<128xf32, #tpu.memory_space<vmem>>
      %dma_wait3A_751 = arith.constant 0 : i32
      %dma_wait3A_752 = tpu.memref_slice %arg13[%dma_wait3A_747, %dma_wait3A_751] : memref<32x128xi32, #tpu.memory_space<vmem>> -> memref<1x128xi32, #tpu.memory_space<vmem>>
      %dma_wait3A_753 = tpu.memref_squeeze %dma_wait3A_752 : memref<1x128xi32, #tpu.memory_space<vmem>> -> memref<128xi32, #tpu.memory_space<vmem>>
      %dma_wait3A_754 = arith.constant 0 : i32
      %dma_wait3A_755 = tpu.memref_slice %arg8[%dma_wait3A_754] : memref<16777216xf32, #tpu.memory_space<hbm>> -> memref<16777216xf32, #tpu.memory_space<hbm>>
      tpu.wait_indirect_dma semaphore(%arg16 : memref<!tpu.dma_semaphore, #tpu.memory_space<semaphore_mem>>) src(%dma_wait3A_750 : memref<128xf32, #tpu.memory_space<vmem>>) dst(%dma_wait3A_755 : memref<16777216xf32, #tpu.memory_space<hbm>>)
      %dma_wait3A_756 = arith.constant 31 : i32
      %dma_wait3A_757 = arith.constant 31 : i32
      %dma_wait3A_758 = arith.constant 0 : i32
      %dma_wait3A_759 = tpu.memref_slice %arg14[%dma_wait3A_756, %dma_wait3A_758] : memref<32x128xf32, #tpu.memory_space<vmem>> -> memref<1x128xf32, #tpu.memory_space<vmem>>
      %dma_wait3A_760 = tpu.memref_squeeze %dma_wait3A_759 : memref<1x128xf32, #tpu.memory_space<vmem>> -> memref<128xf32, #tpu.memory_space<vmem>>
      %dma_wait3A_761 = arith.constant 0 : i32
      %dma_wait3A_762 = tpu.memref_slice %arg13[%dma_wait3A_757, %dma_wait3A_761] : memref<32x128xi32, #tpu.memory_space<vmem>> -> memref<1x128xi32, #tpu.memory_space<vmem>>
      %dma_wait3A_763 = tpu.memref_squeeze %dma_wait3A_762 : memref<1x128xi32, #tpu.memory_space<vmem>> -> memref<128xi32, #tpu.memory_space<vmem>>
      %dma_wait3A_764 = arith.constant 0 : i32
      %dma_wait3A_765 = tpu.memref_slice %arg8[%dma_wait3A_764] : memref<16777216xf32, #tpu.memory_space<hbm>> -> memref<16777216xf32, #tpu.memory_space<hbm>>
      tpu.wait_indirect_dma semaphore(%arg16 : memref<!tpu.dma_semaphore, #tpu.memory_space<semaphore_mem>>) src(%dma_wait3A_760 : memref<128xf32, #tpu.memory_space<vmem>>) dst(%dma_wait3A_765 : memref<16777216xf32, #tpu.memory_space<hbm>>)
    }
    %scan3A_97 = arith.constant 129 : i32
    %eq3A = arith.constant 15 : i32
    %eq3A_98 = arith.cmpi eq, %arg1, %eq3A : i32
    %convert_element_type3A = arith.extui %eq3A_98 : i1 to i32
    %cond3A = arith.constant 0 : i32
    %cond3A_99 = arith.cmpi ne, %convert_element_type3A, %cond3A : i32
    scf.if %cond3A_99 {
      "tpu.region"() ({
        %run_scoped3A = tpu.sem_alloc : memref<!tpu.dma_semaphore, #tpu.memory_space<semaphore_mem>>
        %dma_start3A_155 = arith.constant 0 : i32
        %dma_start3A_156 = tpu.memref_slice %arg10[%dma_start3A_155] : memref<4096xi32, #tpu.memory_space<vmem>> -> memref<16xi32, #tpu.memory_space<vmem>>
        %dma_start3A_157 = arith.constant 0 : i32
        %dma_start3A_158 = tpu.memref_slice %arg10[%dma_start3A_157] : memref<4096xi32, #tpu.memory_space<vmem>> -> memref<16xi32, #tpu.memory_space<vmem>>
        tpu.enqueue_dma source(%arg5 : memref<16xi32, #tpu.memory_space<hbm>>) target(%dma_start3A_158 : memref<16xi32, #tpu.memory_space<vmem>>) target_semaphore(%run_scoped3A : memref<!tpu.dma_semaphore, #tpu.memory_space<semaphore_mem>>)
        %dma_wait3A_159 = arith.constant 0 : i32
        %dma_wait3A_160 = tpu.memref_slice %arg10[%dma_wait3A_159] : memref<4096xi32, #tpu.memory_space<vmem>> -> memref<16xi32, #tpu.memory_space<vmem>>
        %dma_wait3A_161 = arith.constant 0 : i32
        %dma_wait3A_162 = tpu.memref_slice %arg10[%dma_wait3A_161] : memref<4096xi32, #tpu.memory_space<vmem>> -> memref<16xi32, #tpu.memory_space<vmem>>
        tpu.wait_dma2 semaphore(%run_scoped3A : memref<!tpu.dma_semaphore, #tpu.memory_space<semaphore_mem>>) src(%arg5 : memref<16xi32, #tpu.memory_space<hbm>>) dst(%dma_wait3A_162 : memref<16xi32, #tpu.memory_space<vmem>>)
        tpu.yield
      }) : () -> ()
      "tpu.region"() ({
        %run_scoped3A = tpu.sem_alloc : memref<!tpu.dma_semaphore, #tpu.memory_space<semaphore_mem>>
        %dma_start3A_155 = arith.constant 0 : i32
        %dma_start3A_156 = tpu.memref_slice %arg11[%dma_start3A_155] : memref<4096xi32, #tpu.memory_space<vmem>> -> memref<16xi32, #tpu.memory_space<vmem>>
        %dma_start3A_157 = arith.constant 0 : i32
        %dma_start3A_158 = tpu.memref_slice %arg11[%dma_start3A_157] : memref<4096xi32, #tpu.memory_space<vmem>> -> memref<16xi32, #tpu.memory_space<vmem>>
        tpu.enqueue_dma source(%arg6 : memref<16xi32, #tpu.memory_space<hbm>>) target(%dma_start3A_158 : memref<16xi32, #tpu.memory_space<vmem>>) target_semaphore(%run_scoped3A : memref<!tpu.dma_semaphore, #tpu.memory_space<semaphore_mem>>)
        %dma_wait3A_159 = arith.constant 0 : i32
        %dma_wait3A_160 = tpu.memref_slice %arg11[%dma_wait3A_159] : memref<4096xi32, #tpu.memory_space<vmem>> -> memref<16xi32, #tpu.memory_space<vmem>>
        %dma_wait3A_161 = arith.constant 0 : i32
        %dma_wait3A_162 = tpu.memref_slice %arg11[%dma_wait3A_161] : memref<4096xi32, #tpu.memory_space<vmem>> -> memref<16xi32, #tpu.memory_space<vmem>>
        tpu.wait_dma2 semaphore(%run_scoped3A : memref<!tpu.dma_semaphore, #tpu.memory_space<semaphore_mem>>) src(%arg6 : memref<16xi32, #tpu.memory_space<hbm>>) dst(%dma_wait3A_162 : memref<16xi32, #tpu.memory_space<vmem>>)
        tpu.yield
      }) : () -> ()
      "tpu.region"() ({
        %run_scoped3A = tpu.sem_alloc : memref<!tpu.dma_semaphore, #tpu.memory_space<semaphore_mem>>
        %dma_start3A_155 = arith.constant 0 : i32
        %dma_start3A_156 = tpu.memref_slice %arg12[%dma_start3A_155] : memref<4096xf32, #tpu.memory_space<vmem>> -> memref<16xf32, #tpu.memory_space<vmem>>
        %dma_start3A_157 = arith.constant 0 : i32
        %dma_start3A_158 = tpu.memref_slice %arg12[%dma_start3A_157] : memref<4096xf32, #tpu.memory_space<vmem>> -> memref<16xf32, #tpu.memory_space<vmem>>
        tpu.enqueue_dma source(%arg7 : memref<16xf32, #tpu.memory_space<hbm>>) target(%dma_start3A_158 : memref<16xf32, #tpu.memory_space<vmem>>) target_semaphore(%run_scoped3A : memref<!tpu.dma_semaphore, #tpu.memory_space<semaphore_mem>>)
        %dma_wait3A_159 = arith.constant 0 : i32
        %dma_wait3A_160 = tpu.memref_slice %arg12[%dma_wait3A_159] : memref<4096xf32, #tpu.memory_space<vmem>> -> memref<16xf32, #tpu.memory_space<vmem>>
        %dma_wait3A_161 = arith.constant 0 : i32
        %dma_wait3A_162 = tpu.memref_slice %arg12[%dma_wait3A_161] : memref<4096xf32, #tpu.memory_space<vmem>> -> memref<16xf32, #tpu.memory_space<vmem>>
        tpu.wait_dma2 semaphore(%run_scoped3A : memref<!tpu.dma_semaphore, #tpu.memory_space<semaphore_mem>>) src(%arg7 : memref<16xf32, #tpu.memory_space<hbm>>) dst(%dma_wait3A_162 : memref<16xf32, #tpu.memory_space<vmem>>)
        tpu.yield
      }) : () -> ()
      %get3A = arith.constant 0 : index
      %get3A_100 = tpu.vector_load %arg10[%get3A] {strides = array<i32>} : memref<4096xi32, #tpu.memory_space<vmem>>, vector<16xi32>,
      %get3A_101 = vector.shape_cast %get3A_100 : vector<16xi32> to vector<16xi32>
      %get3A_102 = arith.constant 0 : index
      %get3A_103 = tpu.vector_load %arg11[%get3A_102] {strides = array<i32>} : memref<4096xi32, #tpu.memory_space<vmem>>, vector<16xi32>,
      %get3A_104 = vector.shape_cast %get3A_103 : vector<16xi32> to vector<16xi32>
      %get3A_105 = arith.constant 0 : index
      %get3A_106 = tpu.vector_load %arg12[%get3A_105] {strides = array<i32>} : memref<4096xf32, #tpu.memory_space<vmem>>, vector<16xf32>,
      %get3A_107 = vector.shape_cast %get3A_106 : vector<16xf32> to vector<16xf32>
      %mul3A_108 = arith.constant 4096 : i32
      %mul3A_109 = vector.broadcast %mul3A_108 : i32 to vector<16xi32>
      %mul3A_110 = arith.muli %get3A_101, %mul3A_109 : vector<16xi32>
      %add3A_111 = arith.addi %mul3A_110, %get3A_104 : vector<16xi32>
      %shift_right_logical3A = arith.constant 11 : i32
      %shift_right_logical3A_112 = vector.broadcast %shift_right_logical3A : i32 to vector<16xi32>
      %shift_right_logical3A_113 = arith.shrui %get3A_101, %shift_right_logical3A_112 : vector<16xi32>
      %eq3A_114 = arith.cmpi eq, %shift_right_logical3A_113, %broadcast_in_dim3A_89 : vector<16xi32>
      %eq3A_115 = arith.cmpi eq, %get3A_101, %get3A_104 : vector<16xi32>
      %select_n3A = arith.select %eq3A_115, %broadcast_in_dim3A_91, %get3A_107 : vector<16xi1>, vector<16xf32>
      %select_n3A_116 = arith.select %eq3A_114, %add3A_111, %broadcast_in_dim3A : vector<16xi1>, vector<16xi32>
      %swap3A = arith.constant 0 : i32
      %swap3A_117 = arith.index_cast %swap3A : i32 to index
      %swap3A_118 = arith.constant 0 : index
      %swap3A_119 = tpu.vector_load %arg13[%swap3A_117, %swap3A_118] {strides = array<i32>} : memref<32x128xi32, #tpu.memory_space<vmem>>, vector<1x16xi32>,
      %swap3A_120 = vector.shape_cast %swap3A_119 : vector<1x16xi32> to vector<16xi32>
      %swap3A_121 = vector.shape_cast %select_n3A_116 : vector<16xi32> to vector<1x16xi32>
      tpu.vector_store %arg13[%swap3A_117, %swap3A_118], %swap3A_121 {strides = array<i32>} : memref<32x128xi32, #tpu.memory_space<vmem>>, vector<1x16xi32>,
      %select_n3A_122 = arith.select %eq3A_114, %select_n3A, %broadcast_in_dim3A_91 : vector<16xi1>, vector<16xf32>
      %swap3A_123 = arith.constant 0 : i32
      %swap3A_124 = arith.index_cast %swap3A_123 : i32 to index
      %swap3A_125 = arith.constant 0 : index
      %swap3A_126 = tpu.vector_load %arg14[%swap3A_124, %swap3A_125] {strides = array<i32>} : memref<32x128xf32, #tpu.memory_space<vmem>>, vector<1x16xf32>,
      %swap3A_127 = vector.shape_cast %swap3A_126 : vector<1x16xf32> to vector<16xf32>
      %swap3A_128 = vector.shape_cast %select_n3A_122 : vector<16xf32> to vector<1x16xf32>
      tpu.vector_store %arg14[%swap3A_124, %swap3A_125], %swap3A_128 {strides = array<i32>} : memref<32x128xf32, #tpu.memory_space<vmem>>, vector<1x16xf32>,
      %scan3A_129 = arith.constant 0 : i32
      %scan3A_130 = arith.constant 1 : i32
      %scan3A_131 = arith.constant 7 : i32
      %scan3A_132 = arith.addi %scan3A_130, %scan3A_131 : i32
      %scan3A_133 = arith.constant 1 : i32
      scf.for %scan3A_155 = %scan3A_130 to %scan3A_132 step %scan3A_133  : i32 {
        %mul3A_156 = arith.constant 16 : i32
        %mul3A_157 = arith.muli %scan3A_155, %mul3A_156 : i32
        %swap3A_158 = arith.constant 0 : i32
        %swap3A_159 = arith.index_cast %swap3A_158 : i32 to index
        %swap3A_160 = arith.index_cast %mul3A_157 : i32 to index
        %swap3A_161 = tpu.vector_load %arg13[%swap3A_159, %swap3A_160] {strides = array<i32>} : memref<32x128xi32, #tpu.memory_space<vmem>>, vector<1x16xi32>,
        %swap3A_162 = vector.shape_cast %swap3A_161 : vector<1x16xi32> to vector<16xi32>
        %swap3A_163 = vector.shape_cast %broadcast_in_dim3A : vector<16xi32> to vector<1x16xi32>
        tpu.vector_store %arg13[%swap3A_159, %swap3A_160], %swap3A_163 {strides = array<i32>} : memref<32x128xi32, #tpu.memory_space<vmem>>, vector<1x16xi32>,
        %mul3A_164 = arith.constant 16 : i32
        %mul3A_165 = arith.muli %scan3A_155, %mul3A_164 : i32
        %swap3A_166 = arith.constant 0 : i32
        %swap3A_167 = arith.index_cast %swap3A_166 : i32 to index
        %swap3A_168 = arith.index_cast %mul3A_165 : i32 to index
        %swap3A_169 = tpu.vector_load %arg14[%swap3A_167, %swap3A_168] {strides = array<i32>} : memref<32x128xf32, #tpu.memory_space<vmem>>, vector<1x16xf32>,
        %swap3A_170 = vector.shape_cast %swap3A_169 : vector<1x16xf32> to vector<16xf32>
        %swap3A_171 = vector.shape_cast %broadcast_in_dim3A_91 : vector<16xf32> to vector<1x16xf32>
        tpu.vector_store %arg14[%swap3A_167, %swap3A_168], %swap3A_171 {strides = array<i32>} : memref<32x128xf32, #tpu.memory_space<vmem>>, vector<1x16xf32>,
      }
      %scan3A_134 = arith.constant 7 : i32
      %dma_start3A_135 = arith.constant 0 : i32
      %dma_start3A_136 = arith.constant 0 : i32
      %dma_start3A_137 = arith.constant 0 : i32
      %dma_start3A_138 = tpu.memref_slice %arg14[%dma_start3A_135, %dma_start3A_137] : memref<32x128xf32, #tpu.memory_space<vmem>> -> memref<1x128xf32, #tpu.memory_space<vmem>>
      %dma_start3A_139 = tpu.memref_squeeze %dma_start3A_138 : memref<1x128xf32, #tpu.memory_space<vmem>> -> memref<128xf32, #tpu.memory_space<vmem>>
      %dma_start3A_140 = arith.constant 0 : i32
      %dma_start3A_141 = tpu.memref_slice %arg13[%dma_start3A_136, %dma_start3A_140] : memref<32x128xi32, #tpu.memory_space<vmem>> -> memref<1x128xi32, #tpu.memory_space<vmem>>
      %dma_start3A_142 = tpu.memref_squeeze %dma_start3A_141 : memref<1x128xi32, #tpu.memory_space<vmem>> -> memref<128xi32, #tpu.memory_space<vmem>>
      %dma_start3A_143 = arith.constant 0 : i32
      %dma_start3A_144 = tpu.memref_slice %arg8[%dma_start3A_143] : memref<16777216xf32, #tpu.memory_space<hbm>> -> memref<16777216xf32, #tpu.memory_space<hbm>>
      tpu.enqueue_indirect_dma source(%dma_start3A_139 : memref<128xf32, #tpu.memory_space<vmem>>) target(%dma_start3A_144 : memref<16777216xf32, #tpu.memory_space<hbm>>) offsets(%dma_start3A_142 : memref<128xi32, #tpu.memory_space<vmem>>) semaphore(%arg16 : memref<!tpu.dma_semaphore, #tpu.memory_space<semaphore_mem>>)
      %dma_wait3A_145 = arith.constant 0 : i32
      %dma_wait3A_146 = arith.constant 0 : i32
      %dma_wait3A_147 = arith.constant 0 : i32
      %dma_wait3A_148 = tpu.memref_slice %arg14[%dma_wait3A_145, %dma_wait3A_147] : memref<32x128xf32, #tpu.memory_space<vmem>> -> memref<1x128xf32, #tpu.memory_space<vmem>>
      %dma_wait3A_149 = tpu.memref_squeeze %dma_wait3A_148 : memref<1x128xf32, #tpu.memory_space<vmem>> -> memref<128xf32, #tpu.memory_space<vmem>>
      %dma_wait3A_150 = arith.constant 0 : i32
      %dma_wait3A_151 = tpu.memref_slice %arg13[%dma_wait3A_146, %dma_wait3A_150] : memref<32x128xi32, #tpu.memory_space<vmem>> -> memref<1x128xi32, #tpu.memory_space<vmem>>
      %dma_wait3A_152 = tpu.memref_squeeze %dma_wait3A_151 : memref<1x128xi32, #tpu.memory_space<vmem>> -> memref<128xi32, #tpu.memory_space<vmem>>
      %dma_wait3A_153 = arith.constant 0 : i32
      %dma_wait3A_154 = tpu.memref_slice %arg8[%dma_wait3A_153] : memref<16777216xf32, #tpu.memory_space<hbm>> -> memref<16777216xf32, #tpu.memory_space<hbm>>
      tpu.wait_indirect_dma semaphore(%arg16 : memref<!tpu.dma_semaphore, #tpu.memory_space<semaphore_mem>>) src(%dma_wait3A_149 : memref<128xf32, #tpu.memory_space<vmem>>) dst(%dma_wait3A_154 : memref<16777216xf32, #tpu.memory_space<hbm>>)
    } else {
    }
    return
  }
}

</mosaic_0001>

<sc_bundles>
// kernel: kernel.3.cloned.1.call-start
scs
__scs_entry_jumppad:
0x0: {  	(pc) =	sbr.rel $0x88, $3  }
0x1: {  	(tag) =	ssettag $0x0;
	lr =	simm.s32 $0x1  }
0x2: {  	[smem:$0x3F9E] =	sst lr;
	_ =	strace $0xD0000000  }
0x3: {  	_ = 	snop  }
0x4: {  	_ = 	snop  }
0x5: {  	_ = 	snop  }
0x6: {  	_ = 	snop  }
0x7: {  	_ = 	snop  }
__scs_overlays_trampoline_lowered:
0x8: {  	[smem:$0x3FAD] =	sst s0  }
0x9: {  	[smem:$0x3FAE] =	sst s1  }
0xa: {  	[smem:$0x3FAF] =	sst s2  }
0xb: {  	[smem:$0x3FB0] =	sst s3  }
0xc: {  	[smem:$0x3FB1] =	sst s4  }
0xd: {  	[smem:$0x3FB2] =	sst s5  }
0xe: {  	[smem:$0x3FB3] =	sst s6  }
0xf: {  	[smem:$0x3FB4] =	sst s7  }
0x10: {  	[smem:$0x3FB5] =	sst s8  }
0x11: {  	[smem:$0x3FB6] =	sst s9;
	s0 =	simm.s32 @!p0 $0x0  }
0x12: {  	s1 =	sld [smem:$0x3F9C];
	s0 =	simm.s32 @p0 $0x1  }
0x13: {  	[smem:$0x3FB7] =	sst s0;
	s0 =	simm.s32 @!p1 $0x0  }
0x14: {  	s2 =	sld [smem:$0x3F9B];
	s0 =	simm.s32 @p1 $0x1  }
0x15: {  	[smem:$0x3FB8] =	sst s0;
	s0 =	simm.s32 @!p2 $0x0  }
0x16: {  	s3 =	sld [smem:$0x3FDB];
	s0 =	simm.s32 @p2 $0x1  }
0x17: {  	s4 =	simm.s32 $0x1BF5;
	[smem:$0x3FBA] =	sst s0  }
0x18: {  	s0 =	sld [smem:$0x3F9D];
	_ =	swait.ge [sflag:s4], $0x0  }
0x19: {  	s7 =	sld [smem:$0x3F9E]  }
0x1a: {  	s8 =	sadd.s32 $0xFFFFE003, lr  }
0x1b: {  	s9 =	sadd.s32 $0xFFFFFEF7, lr;
	s5 =	simm.s32 $0xFFFFFFFF;
	p2 =	slt.u32 s8, $0xFFFFF086  }
0x1c: {  	p1 =	slt.u32 s9, $0xF7A;
	s5 =	simm.s32 @!p2 $0x0  }
0x1d: {  	s5 =	simm.s32 @p1 $0x1;
	p0 =	seq.s32 s7, s2  }
0x1e: {  	s7 =	smul.u32 @!p0 $0xF7A, s2;
	p2 =	seq.s32 @!p0 s5, $0x0  }
0x1f: {  	s9 =	smul.u32 $0xF7A, s1;
	s8 =	simm.s32 @!p0 $0x1BF5;
	p2 =	por !p2, p0  }
0x20: {  	[sflag:s8] =	ssyncset.s32 @!p0 $0xFFFFF086;
	s6 =	sadd.s32 @!p0 s3, s7;
	s7 =	simm.s32 @!p0 $0x108  }
0x21: {  	s3 =	sadd.s32 s3, s9;
	s6 =	sadd.s32 @!p0 $0x88, s6;
	s7 =	simm.s32 @p2 $0x1082  }
0x22: {  	[simem:s7], [sflag:s8] =	dma.local @!p0 [hbm:s6], $0xF7A  }
0x23: {  	s9 =	sor.u32 $0xD0000000, s2;
	s6 =	simm.s32 $0x108;
	_ =	swait.ge @!p0 [sflag:s8], $0x0  }
0x24: {  	s3 =	sadd.s32 $0x88, s3;
	s6 =	simm.s32 @!p1 $0x1082;
	[sflag:s4] =	ssyncset.s32 $0xFFFFF086  }
0x25: {  	[simem:s6], [sflag:s4] =	dma.local [hbm:s3], $0xF7A  }
0x26: {  	[smem:$0x3F9E] =	sst s1;
	(tag) =	ssettag s2;
	_ =	strace s9  }
0x27: {  	s1 =	sld [smem:$0x3FAE]  }
0x28: {  	s2 =	sld [smem:$0x3FAF]  }
0x29: {  	s4 =	sld [smem:$0x3FB1]  }
0x2a: {  	p0 =	seq.s32 s5, $0x0;
	s5 =	sld [smem:$0x3FB2]  }
0x2b: {  	s6 =	sld [smem:$0x3FB3]  }
0x2c: {  	s7 =	sld [smem:$0x3FB4]  }
0x2d: {  	s3 =	simm.s32 $0x108;
	s8 =	sld [smem:$0x3FB5]  }
0x2e: {  	s3 =	simm.s32 @!p0 $0x1082;
	s9 =	sld [smem:$0x3FB6]  }
0x2f: {  	lr =	sadd.s32 s0, s3;
	s0 =	sld [smem:$0x3FAD]  }
0x30: {  	s3 =	sld [smem:$0x3FB0]  }
0x31: {  	[smem:$0x3FB9] =	sst s10  }
0x32: {  	s10 =	sld [smem:$0x3FB7];
	_ =	sdelay $0x3  }
0x33: {  	p0 =	seq.s32 s10, $0x1;
	s10 =	sld [smem:$0x3FB9];
	_ =	sdelay $0x3  }
0x34: {  	[smem:$0x3FB9] =	sst s10  }
0x35: {  	s10 =	sld [smem:$0x3FB8];
	_ =	sdelay $0x3  }
0x36: {  	p1 =	seq.s32 s10, $0x1;
	s10 =	sld [smem:$0x3FB9];
	_ =	sdelay $0x3  }
0x37: {  	[smem:$0x3FB9] =	sst s10  }
0x38: {  	s10 =	sld [smem:$0x3FBA]  }
0x39: {  	_ = 	snop;
	(pc) =	sbr.ind lr, $3  }
0x3a: {  	_ = 	snop  }
0x3b: {  	_ = 	snop  }
0x3c: {  	p2 =	seq.s32 s10, $0x1;
	s10 =	sld [smem:$0x3FB9]  }
0x3d: {  	_ =	shalt  }
0x3e: {  	_ =	shalt  }
0x3f: {  	_ =	shalt  }
0x40: {  	_ =	shalt  }
0x41: {  	_ =	shalt  }
0x42: {  	_ =	shalt  }
0x43: {  	_ =	shalt  }
0x44: {  	_ =	shalt  }
0x45: {  	_ =	shalt  }
0x46: {  	_ =	shalt  }
0x47: {  	_ =	shalt  }
0x48: {  	_ =	shalt  }
0x49: {  	_ =	shalt  }
0x4a: {  	_ =	shalt  }
0x4b: {  	_ =	shalt  }
0x4c: {  	_ =	shalt  }
0x4d: {  	_ =	shalt  }
0x4e: {  	_ =	shalt  }
0x4f: {  	_ =	shalt  }
0x50: {  	_ =	shalt  }
0x51: {  	_ =	shalt  }
0x52: {  	_ =	shalt  }
0x53: {  	_ =	shalt  }
0x54: {  	_ =	shalt  }
0x55: {  	_ =	shalt  }
0x56: {  	_ =	shalt  }
0x57: {  	_ =	shalt  }
0x58: {  	_ =	shalt  }
0x59: {  	_ =	shalt  }
0x5a: {  	_ =	shalt  }
0x5b: {  	_ =	shalt  }
0x5c: {  	_ =	shalt  }
0x5d: {  	_ =	shalt  }
0x5e: {  	_ =	shalt  }
0x5f: {  	_ =	shalt  }
0x60: {  	_ =	shalt  }
0x61: {  	_ =	shalt  }
0x62: {  	_ =	shalt  }
0x63: {  	_ =	shalt  }
0x64: {  	_ =	shalt  }
0x65: {  	_ =	shalt  }
0x66: {  	_ =	shalt  }
0x67: {  	_ =	shalt  }
0x68: {  	_ =	shalt  }
0x69: {  	_ =	shalt  }
0x6a: {  	_ =	shalt  }
0x6b: {  	_ =	shalt  }
0x6c: {  	_ =	shalt  }
0x6d: {  	_ =	shalt  }
0x6e: {  	_ =	shalt  }
0x6f: {  	_ =	shalt  }
0x70: {  	_ =	shalt  }
0x71: {  	_ =	shalt  }
0x72: {  	_ =	shalt  }
0x73: {  	_ =	shalt  }
0x74: {  	_ =	shalt  }
0x75: {  	_ =	shalt  }
0x76: {  	_ =	shalt  }
0x77: {  	_ =	shalt  }
0x78: {  	_ =	shalt  }
0x79: {  	_ =	shalt  }
0x7a: {  	_ =	shalt  }
0x7b: {  	_ =	shalt  }
0x7c: {  	_ =	shalt  }
0x7d: {  	_ =	shalt  }
0x7e: {  	_ =	shalt  }
0x7f: {  	_ =	shalt  }
0x80: {  	_ =	shalt  }
0x81: {  	_ =	shalt  }
0x82: {  	_ =	shalt  }
0x83: {  	_ =	shalt  }
0x84: {  	_ =	shalt  }
0x85: {  	_ =	shalt  }
0x86: {  	_ =	shalt  }
0x87: {  	_ =	shalt  }
.Lfunc_end0:
.L_simem_size_0:
called_computation_lowered:
.L_overlay_start_0:
0x88: {  	s2 =	sld [smem:$0x3FD9]  }
0x89: {  	s3 =	sld [smem:$0x3FFE];
	_ =	sdelay $0x1  }
0x8a: {  	s1 =	srdreg.scid  }
0x8b: {  	s0 =	sand.u32 $0x1, s1  }
0x8c: {  	s17 =	sshll.u32 s0, $0xA;
	s2 =	sadd.s32 s3, s2  }
0x8d: {  	s2 =	sadd.s32 s2, s17  }
0x8e: {  	[smem:$0x3FC5] =	sst s2  }
0x8f: {  	_ = 	snop  }
0x90: {  	s2 =	sld [smem:$0x3FC9]  }
0x91: {  	s18 =	sld [smem:$0x3FC8]  }
0x92: {  	s4 =	sld [smem:$0x3FC7]  }
0x93: {  	s5 =	sld [smem:$0x3FD0];
	(tm) =	ssettm $0x1  }
0x94: {  	s6 =	sld [smem:$0x3FFB];
	_ =	sdelay $0x3  }
0x95: {  	_ =	strace s6  }
0x96: {  	s6 =	sld [smem:$0x3FFC];
	_ =	sdelay $0x3  }
0x97: {  	_ =	strace s6  }
0x98: {  	s6 =	sld [smem:$0x3FFD];
	_ =	sdelay $0x3  }
0x99: {  	_ =	strace s6  }
0x9a: {  	_ =	strace $0x8FFFFFFF  }
0x9b: {  	s19 =	sld [smem:$0x3FDB];
	_ =	sdelay $0x1  }
0x9c: {  	s7 =	simm.s32 $_scs_section_size  }
0x9d: {  	s8 =	simm.s32 $_size__tile_overlayer_lowered;
	s9 =	simm.s32 $_tile_overlayer_lowered  }
0x9e: {  	s22 =	simm.s32 $0x1BFF;
	s21 =	sshll.u32 s9, $0x1;
	s6 =	sadd.s32 s7, s19  }
0x9f: {  	s10 =	simm.s32 $0x0;
	s20 =	sshll.u32 s8, $0x1;
	s8 =	sadd.s32 s21, s6  }
0xa0: {  	[timem:s10], [sflag:s22] =	dma.local [hbm:s8], s20  }
0xa1: {  	_ =	swait.ge [sflag:s22], s20  }
0xa2: {  	s7 =	ssub.s32 $0x0, s20;
	[sflag:s22] =	ssyncset.done $0x0  }
0xa3: {  	[sflag:s22] =	ssyncadd.s32 s7;
	_ =	sdelay $0x1  }
0xa4: {  	s23 =	simm.s32 $0x1B8B  }
0xa5: {  	_ =	swait.ge [sflag:s23], $0x1  }
0xa6: {  	[sflag:s23] =	ssyncset.done $0x0  }
0xa7: {  	s25 =	simm.s32 $0x1B8E;
	s24 =	sld [smem:$0x3FFE];
	[sflag:s23] =	ssyncadd.s32 $0xFFFFFFFF  }
0xa8: {  	s26 =	simm.s32 $execute0_lowered;
	[smem:$0x3FD2] =	sst s25  }
0xa9: {  	s8 =	sshll.u32 s26, $0x1;
	_ =	strace $0x80000046;
	[dreg:$0x1] =	wrdreg $0xFFFFFFFF  }
0xaa: {  	s28 =	simm.s32 $_size_execute0_lowered;
	s6 =	sadd.s32 s6, s8;
	[dreg:$0x0] =	wrdreg $0x0  }
0xab: {  	s8 =	sshll.u32 s28, $0x1;
	[dreg:$0x2] =	wrdreg s6  }
0xac: {  	[dreg:$0x3] =	wrdreg s8  }
0xad: {  	[dreg:$0x4] =	wrdreg $0xC0  }
0xae: {  	_ =	task [dreg:s10], $0x5FFFF  }
0xaf: {  	[dreg:$0x1] =	wrdreg $0xFFFFFFFF  }
0xb0: {  	[dreg:$0x0] =	wrdreg $0x60  }
0xb1: {  	[dreg:$0x2] =	wrdreg s2  }
0xb2: {  	[dreg:$0x3] =	wrdreg s18  }
0xb3: {  	[dreg:$0x4] =	wrdreg s4  }
0xb4: {  	[dreg:$0x5] =	wrdreg s5  }
0xb5: {  	[dreg:$0x6] =	wrdreg s24  }
0xb6: {  	[dreg:$0x7] =	wrdreg $0x9  }
0xb7: {  	_ =	task.clear_ibuf [dreg:s10], $0x8FFFF;
	_ =	strace $0x90000046  }
0xb8: {  	s29 =	simm.s32 $0x9;
	_ =	strace $0x80000048  }
0xb9: {  	_ =	swait.ge [sflag:s29], $0x1  }
0xba: {  	[sflag:s29] =	ssyncadd.s32 $0xFFFFFFFF  }
0xbb: {  	_ =	strace $0x90000048  }
0xbc: {  	_ =	sfence  }
0xbd: {  	s30 =	sld [smem:$0x0];
	_ =	sdelay $0x2  }
0xbe: {  	s31 =	sshll.u32 s1, $0xD;
	s1 =	sshrl.u32 s1, $0x2  }
0xbf: {  	s3 =	sand.u32 $0x4000, s31;
	s1 =	sadd.s32 s1, s30  }
0xc0: {  	s0 =	sor.u32 s3, s0;
	s1 =	sshll.u32 s1, $0x11  }
0xc1: {  	s0 =	sor.u32 s1, s0  }
0xc2: {  	s0 =	sadd.s32 $0x8F2B, s0  }
0xc3: {  	[sflag:s0] =	ssyncadd.remote.s32 $0x1  }
0xc4: {  	_ =	sfence.sel $0xFFFF  }
0xc5: {  	[dreg:$0x0] =	wrdreg $0xFFFFFFFF;
	(pc) =	sbr.abs _section_cstart, $3  }
0xc6: {  	[dreg:$0x1] =	wrdreg $0xFFFFFFFF  }
0xc7: {  	_ =	task.clear_ibuf [dreg:s10], $0x2FFFF;
	_ =	strace $0x9FFFFFFF  }
0xc8: {  	(tm) =	ssettm $0x7FFFFFFF  }
0xc9: {  	_ =	shalt  }
tec
execute0_lowered:
.L_overlay_start_1:
0x0: {  	(tag) =	ssettag $0x1  }
0x1: {  	s1 =	rddreg [dreg:$0x4];
	s0 =	srdreg.scid  }
0x2: {  	s15 =	simm.s32 $0x0;
	s6 =	stileid.u32;
	s20 =	simm.s32 $0x1  }
0x3: {  	s21 =	simm.s32 $0x80;
	s24 =	simm.s32 $0x2;
	s28 =	simm.s32 $0x14C80  }
0x4: {  	s29 =	simm.s32 $0x13D00;
	s30 =	simm.s32 $0x14D00;
	s31 =	simm.s32 $0x13D80  }
0x5: {  	s0 =	sand.u32 $0x1, s0;
	[smem:$0x7FF] =	sst s15;
	s3 =	sshll.u32 s6, $0x7  }
0x6: {  	s7 =	sadd.s32 $0x800, s1;
	s5 =	sadd.s32 $0x400, s1;
	s1 =	sadd.s32 $0x600, s1  }
0x7: {  	p0 =	sne.s32 s6, $0xF;
	_ =	strace $0x80000047;
	[dreg:$0x7] =	wrdreg s5  }
0x8: {  	s2 =	sshll.u32 s0, $0xB;
	s9 =	ssub.s32 $0x2, s0;
	[dreg:$0x9] =	wrdreg s1  }
0x9: {  	s19 =	smul.u32 $0x800800, s0;
	v1 =	vmov s0;
	s0 =	simm.s32 $0x14D80;
	s5 =	simm.s32 $0x13E00  }
0xa: {  	s2 =	sor.u32 s3, s2;
	s10 =	sshrl.u32 s9, $0x1;
	s3 =	simm.s32 $0x13C00  }
0xb: {  	s4 =	sshll.u32 s2, $0x9;
	s11 =	ssub.s32 s9, s10;
	s22 =	sor.u32 $0x10, s2  }
0xc: {  	v6 =	vlaneseq.u32;
	s23 =	sor.u32 $0x20, s2;
	s25 =	sor.u32 $0x30, s2;
	s26 =	sor.u32 $0x40, s2  }
0xd: {  	v9 =	vmul.u32 $0x1001, v6;
	s8 =	sor.u32 $0x50, s2;
	s9 =	sor.u32 $0x60, s2;
	v2 =	vmov s2;
	s4 =	sadd.s32 s7, s4;
	v3 =	vmov s22  }
0xe: {  	s10 =	sor.u32 $0x70, s2;
	s1 =	smax.u32 s11, $0x1;
	v2 =	vmul.u32 $0x1001, v2;
	v4 =	vmov s23;
	v5 =	vmov s25;
	[dreg:$0x8] =	wrdreg s4  }
0xf: {  	s2 =	simm.s32 $0x14B80;
	v7 =	vmov s26;
	v6 =	vmov s8;
	v8 =	vmov s9;
	s12 =	sadd.s32 $0x2000, s4;
	[dreg:$0x11] =	wrdreg s1  }
0x10: {  	v10 =	vmov s10;
	s22 =	simm.s32 $0x13B00;
	s13 =	sadd.s32 $0x4000, s4;
	v3 =	vmul.u32 $0x1001, v3;
	v4 =	vmul.u32 $0x1001, v4;
	[dreg:$0xa] =	wrdreg s12  }
0x11: {  	s23 =	simm.s32 $0x13B80;
	s14 =	sadd.s32 $0x6000, s4;
	v5 =	vmul.u32 $0x1001, v5;
	v7 =	vmul.u32 $0x1001, v7;
	v6 =	vmul.u32 $0x1001, v6;
	[dreg:$0xb] =	wrdreg s13  }
0x12: {  	s25 =	simm.s32 $0x14C00;
	s16 =	sadd.s32 $0x8000, s4;
	v8 =	vmul.u32 $0x1001, v8;
	[dreg:$0xc] =	wrdreg s14;
	v2 =	vbroadcast v2, $0x0;
	v3 =	vbroadcast v3, $0x0  }
0x13: {  	s26 =	simm.s32 $0x13C80;
	s17 =	sadd.s32 $0xA000, s4;
	v10 =	vmul.u32 $0x1001, v10;
	[dreg:$0xd] =	wrdreg s16;
	v4 =	vbroadcast v4, $0x0;
	v5 =	vbroadcast v5, $0x0  }
0x14: {  	v0 =	vmov s19;
	s8 =	simm.s32 $0x13E80;
	s18 =	sadd.s32 $0xC000, s4;
	[dreg:$0xe] =	wrdreg s17;
	v7 =	vbroadcast v7, $0x0;
	v11 =	vbroadcast v6, $0x0  }
0x15: {  	s10 =	simm.s32 $0x14E80;
	s4 =	sadd.s32 $0xE000, s4;
	[dreg:$0xf] =	wrdreg s18;
	v8 =	vbroadcast v8, $0x0;
	v10 =	vbroadcast v10, $0x0;
	v2 =	vadd.s32 v9, v2  }
0x16: {  	s11 =	simm.s32 $0x13F00;
	s1 =	simm.s32 $0x14B00;
	[dreg:$0x10] =	wrdreg s4;
	v3 =	vadd.s32 v9, v3;
	v4 =	vadd.s32 v9, v4;
	v5 =	vadd.s32 v9, v5  }
0x17: {  	s18 =	smul.u32 $0x81, s6;
	s6 =	simm.s32 $0x14A80;
	s4 =	simm.s32 $0x14E00;
	v6 =	vadd.s32 v9, v7;
	v7 =	vadd.s32 v9, v11;
	v8 =	vadd.s32 v9, v8  }
0x18: {  	s12 =	simm.s32 $0x14F00;
	s13 =	simm.s32 $0x13F80;
	s14 =	simm.s32 $0x14F80;
	v9 =	vadd.s32 v9, v10;
	v10 =	vimm.f32 $-Inf;
	v11 =	vimm.f32 $1.000000000e+00  }
.LBB2_1:
0x19: {  	[dreg:$0x6] =	wrdreg s15;
	s9 =	simm.s32 $0x40;
	s15 =	simm.s32 $0x0  }
.LBB2_2:
0x1a: {  	p1 =	sne.s32 s9, $0x3FFC0;
	[tilespmem:s15+$0x0] =	vst v10;
	s15 =	smov.u32 s9;
	s9 =	sadd.s32 $0x40, s9  }
.Ltmp0:
0x1b: {  	(pc) =	sbr.rel @p1 .LBB2_2-.Ltmp0, $2  }
0x1c: {  	_ =	sdelay $0x2  }
0x1d: {  	s15 =	sshra.s32 s15, $0x2  }
0x1e: {  	[tilespmem:s15+$0x0] =	vst v10;
	s15 =	simm.s32 $0x0;
	s9 =	rddreg [dreg:$0x8]  }
0x1f: {  	[hbm4b:s9+s15] =	stream.linear.scatter [tilespmem:s15], [sflag:$0x1], $0x10000, $0x38;
	[tilespmem:$0x15000] =	vst v63  }
0x20: {  	s17 =	rddreg [dreg:$0xa]  }
0x21: {  	[hbm4b:s17+s15] =	stream.linear.scatter [tilespmem:s15], [sflag:$0x1], $0x10000, $0x38;
	[tilespmem:$0x15000] =	vst v63  }
0x22: {  	s19 =	rddreg [dreg:$0xb]  }
0x23: {  	[hbm4b:s19+s15] =	stream.linear.scatter [tilespmem:s15], [sflag:$0x1], $0x10000, $0x38;
	[tilespmem:$0x15000] =	vst v63  }
0x24: {  	s16 =	rddreg [dreg:$0xc]  }
0x25: {  	[hbm4b:s16+s15] =	stream.linear.scatter [tilespmem:s15], [sflag:$0x1], $0x10000, $0x38;
	[tilespmem:$0x15000] =	vst v63  }
0x26: {  	s17 =	rddreg [dreg:$0xd]  }
0x27: {  	[hbm4b:s17+s15] =	stream.linear.scatter [tilespmem:s15], [sflag:$0x1], $0x10000, $0x38;
	[tilespmem:$0x15000] =	vst v63  }
0x28: {  	s19 =	rddreg [dreg:$0xe]  }
0x29: {  	[hbm4b:s19+s15] =	stream.linear.scatter [tilespmem:s15], [sflag:$0x1], $0x10000, $0x38;
	[tilespmem:$0x15000] =	vst v63  }
0x2a: {  	s16 =	rddreg [dreg:$0xf]  }
0x2b: {  	[hbm4b:s16+s15] =	stream.linear.scatter [tilespmem:s15], [sflag:$0x1], $0x10000, $0x38;
	[tilespmem:$0x15000] =	vst v63  }
0x2c: {  	s17 =	rddreg [dreg:$0x10]  }
0x2d: {  	[hbm4b:s17+s15] =	stream.linear.scatter [tilespmem:s15], [sflag:$0x1], $0x10000, $0x38;
	[tilespmem:$0x15000] =	vst v63  }
0x2e: {  	_ =	swait.ge [sflag:s20], $0x10000  }
0x2f: {  	[sflag:s20] =	ssyncset.done $0x0  }
0x30: {  	[sflag:s20] =	ssyncadd.s32 $0xFFFF0000  }
0x31: {  	_ =	swait.ge [sflag:s20], $0x10000  }
0x32: {  	[sflag:s20] =	ssyncset.done $0x0  }
0x33: {  	[sflag:s20] =	ssyncadd.s32 $0xFFFF0000  }
0x34: {  	_ =	swait.ge [sflag:s20], $0x10000  }
0x35: {  	[sflag:s20] =	ssyncset.done $0x0  }
0x36: {  	[sflag:s20] =	ssyncadd.s32 $0xFFFF0000  }
0x37: {  	_ =	swait.ge [sflag:s20], $0x10000  }
0x38: {  	[sflag:s20] =	ssyncset.done $0x0  }
0x39: {  	[sflag:s20] =	ssyncadd.s32 $0xFFFF0000  }
0x3a: {  	_ =	swait.ge [sflag:s20], $0x10000  }
0x3b: {  	[sflag:s20] =	ssyncset.done $0x0  }
0x3c: {  	[sflag:s20] =	ssyncadd.s32 $0xFFFF0000  }
0x3d: {  	_ =	swait.ge [sflag:s20], $0x10000  }
0x3e: {  	[sflag:s20] =	ssyncset.done $0x0  }
0x3f: {  	[sflag:s20] =	ssyncadd.s32 $0xFFFF0000  }
0x40: {  	_ =	swait.ge [sflag:s20], $0x10000  }
0x41: {  	[sflag:s20] =	ssyncset.done $0x0  }
0x42: {  	[sflag:s20] =	ssyncadd.s32 $0xFFFF0000  }
0x43: {  	_ =	swait.ge [sflag:s20], $0x10000  }
0x44: {  	[sflag:s20] =	ssyncset.done $0x0  }
0x45: {  	[sflag:s20] =	ssyncadd.s32 $0xFFFF0000  }
0x46: {  	[tilespmem:$0x13000] =	vst v2  }
0x47: {  	[tilespmem:$0x14000] =	vst v11  }
0x48: {  	[tilespmem:$0x13010] =	vst v3  }
0x49: {  	[tilespmem:$0x14010] =	vst v11  }
0x4a: {  	[tilespmem:$0x13020] =	vst v4  }
0x4b: {  	[tilespmem:$0x14020] =	vst v11  }
0x4c: {  	[tilespmem:$0x13030] =	vst v5  }
0x4d: {  	[tilespmem:$0x14030] =	vst v11  }
0x4e: {  	[tilespmem:$0x13040] =	vst v6  }
0x4f: {  	[tilespmem:$0x14040] =	vst v11  }
0x50: {  	[tilespmem:$0x13050] =	vst v7  }
0x51: {  	[tilespmem:$0x14050] =	vst v11  }
0x52: {  	[tilespmem:$0x13060] =	vst v8  }
0x53: {  	[tilespmem:$0x14060] =	vst v11  }
0x54: {  	[tilespmem:$0x13070] =	vst v9  }
0x55: {  	s19 =	simm.s32 $0x13000;
	s16 =	simm.s32 $0x14000;
	[tilespmem:$0x14070] =	vst v11  }
0x56: {  	[hbm4b:s7+s21] =	stream.indirect.scatter [tilespmem:s16], [sflag:$0x2], $0x1, s19, s21, $0xb8;
	[tilespmem:$0x15000] =	vst v63  }
0x57: {  	_ =	swait.ge [sflag:s24], $0x80  }
0x58: {  	[sflag:s24] =	ssyncset.done $0x0  }
0x59: {  	[sflag:s24] =	ssyncadd.s32 $0xFFFFFF80  }
0x5a: {  	s16 =	simm.s32 $0x0;
	[bflag:$0x0] =	sbarrier.arrive $0xFFFF  }
.LBB2_4:
0x5b: {  	s9 =	sadd.s32 s18, s16  }
0x5c: {  	s9 =	sshll.u32 s9, $0xC  }
0x5d: {  	s9 =	smin.u32 s9, $0x804000  }
0x5e: {  	s17 =	rddreg [dreg:$0x0];
	s9 =	sshrl.u32 s9, $0x3  }
0x5f: {  	s19 =	simm.s32 $0x10000;
	s17 =	sadd.s32 s17, s9  }
0x60: {  	[tilespmem:s19], [sflag:$0x1] =	stream.linear.gather [hbm4b:s17+s15], $0x1000, $0x38;
	[tilespmem:$0x15000] =	vst v63  }
0x61: {  	s19 =	rddreg [dreg:$0x1]  }
0x62: {  	s17 =	sadd.s32 s19, s9;
	s19 =	simm.s32 $0x11000  }
0x63: {  	[tilespmem:s19], [sflag:$0x1] =	stream.linear.gather [hbm4b:s17+s15], $0x1000, $0x38;
	[tilespmem:$0x15000] =	vst v63  }
0x64: {  	s19 =	rddreg [dreg:$0x2]  }
0x65: {  	s9 =	sadd.s32 s19, s9;
	s19 =	simm.s32 $0x12000  }
0x66: {  	[tilespmem:s19], [sflag:$0x1] =	stream.linear.gather [hbm4b:s9+s15], $0x1000, $0x38;
	[tilespmem:$0x15000] =	vst v63  }
0x67: {  	_ =	swait.ge [sflag:s20], $0x1000  }
0x68: {  	[sflag:s20] =	ssyncset.done $0x0  }
0x69: {  	[sflag:s20] =	ssyncadd.s32 $0xFFFFF000  }
0x6a: {  	_ =	swait.ge [sflag:s20], $0x1000  }
0x6b: {  	[sflag:s20] =	ssyncset.done $0x0  }
0x6c: {  	[sflag:s20] =	ssyncadd.s32 $0xFFFFF000  }
0x6d: {  	_ =	swait.ge [sflag:s20], $0x1000  }
0x6e: {  	[sflag:s20] =	ssyncset.done $0x0  }
0x6f: {  	s17 =	simm.s32 $0x0;
	[sflag:s20] =	ssyncadd.s32 $0xFFFFF000  }
0x70: {  	v12 =	vld [tilespmem:s17+$0x10070]  }
0x71: {  	v13 =	vld [tilespmem:s17+$0x11070]  }
0x72: {  	v14 =	vld [tilespmem:s17+$0x10000]  }
0x73: {  	v15 =	vld [tilespmem:s17+$0x12070]  }
0x74: {  	v16 =	vld [tilespmem:s17+$0x10010]  }
0x75: {  	v17 =	vld [tilespmem:s17+$0x10020]  }
0x76: {  	v19 =	vld [tilespmem:s17+$0x10030]  }
0x77: {  	v21 =	vld [tilespmem:s17+$0x10050]  }
0x78: {  	v22 =	vld [tilespmem:s17+$0x10060]  }
0x79: {  	v28 =	vld [tilespmem:s17+$0x11030]  }
0x7a: {  	v32 =	vld [tilespmem:s17+$0x11050];
	v18 =	vshrl.u32 v12, $0xB  }
0x7b: {  	vm1 =	vne.s32 v12, v13;
	v12 =	vshll.u32 v12, $0xC;
	v20 =	vshrl.u32 v14, $0xB  }
0x7c: {  	v23 =	vshrl.u32 v16, $0xB;
	v25 =	vshrl.u32 v17, $0xB;
	v27 =	vshrl.u32 v19, $0xB  }
0x7d: {  	v24 =	vld [tilespmem:s17+$0x11010];
	v62 =	vshll.u32 v21, $0xC;
	v31 =	vshrl.u32 v21, $0xB;
	vm0 =	veq.s32 v18, v1  }
0x7e: {  	v26 =	vld [tilespmem:s17+$0x11020];
	v63 =	vshll.u32 v22, $0xC;
	vm8 =	vne.s32 v19, v28;
	vm1 =	vmand vm0, vm1  }
0x7f: {  	vm10 =	vne.s32 v21, v32;
	v12 =	vadd.s32 v13, v12;
	v15 =	vnsel vm1, $0x3F800000, v15  }
0x80: {  	v13 =	vshll.u32 v14, $0xC;
	vm4 =	veq.s32 v20, v1;
	v20 =	vshll.u32 v16, $0xC;
	[tilespmem:s17+$0x14070] =	vst v15;
	v15 =	vld [tilespmem:s17+$0x11000]  }
0x81: {  	v18 =	vld [tilespmem:s17+$0x10040];
	vm5 =	veq.s32 v23, v1;
	v23 =	vshll.u32 v17, $0xC;
	vm6 =	veq.s32 v25, v1  }
0x82: {  	v30 =	vld [tilespmem:s17+$0x11040];
	v25 =	vshll.u32 v19, $0xC;
	vm2 =	veq.s32 v31, v1;
	v12 =	vsel vm0, v12, v0  }
0x83: {  	vm0 =	veq.s32 v27, v1;
	v34 =	vadd.s32 v24, v20;
	v23 =	vadd.s32 v26, v23  }
0x84: {  	vm10 =	vmand vm2, vm10;
	[tilespmem:s17+$0x13070] =	vst v12;
	v12 =	vshrl.u32 v22, $0xB;
	vm8 =	vmand vm0, vm8  }
0x85: {  	vm3 =	veq.s32 v12, v1;
	v33 =	vadd.s32 v15, v13;
	vm7 =	vne.s32 v14, v15;
	v15 =	vld [tilespmem:s17+$0x11060]  }
0x86: {  	v29 =	vshrl.u32 v18, $0xB;
	vm11 =	vmand vm4, vm7;
	vm7 =	vne.s32 v16, v24;
	v16 =	vld [tilespmem:s17+$0x12000]  }
0x87: {  	v27 =	vshll.u32 v18, $0xC;
	vm9 =	vne.s32 v18, v30;
	vm1 =	veq.s32 v29, v1;
	v24 =	vld [tilespmem:s17+$0x12010]  }
0x88: {  	v19 =	vld [tilespmem:s17+$0x12020];
	v12 =	vadd.s32 v28, v25;
	vm9 =	vmand vm1, vm9;
	v13 =	vadd.s32 v30, v27  }
0x89: {  	v20 =	vld [tilespmem:s17+$0x12030];
	v14 =	vadd.s32 v32, v62;
	vm12 =	vmand vm5, vm7;
	vm7 =	vne.s32 v17, v26  }
0x8a: {  	v21 =	vld [tilespmem:s17+$0x12040];
	v17 =	vsel vm4, v33, v0;
	vm7 =	vmand vm6, vm7;
	vm13 =	vne.s32 v22, v15  }
0x8b: {  	v22 =	vld [tilespmem:s17+$0x12050];
	v18 =	vnsel vm11, $0x3F800000, v16;
	v16 =	vadd.s32 v15, v63;
	vm4 =	vmand vm3, vm13  }
0x8c: {  	s19 =	simm.s32 $0x80;
	s9 =	simm.s32 $0x400;
	v24 =	vnsel vm12, $0x3F800000, v24;
	v15 =	vsel vm6, v23, v0;
	v23 =	vld [tilespmem:s17+$0x12060];
	[tilespmem:s17+$0x14000] =	vst v18;
	v18 =	vsel vm5, v34, v0  }
.LBB2_5:
0x8d: {  	p1 =	sne.s32 s9, $0x3E00;
	v25 =	vld [tilespmem:s19+$0x10070];
	[tilespmem:s17+$0x14010] =	vst v24;
	v19 =	vnsel vm7, $0x3F800000, v19;
	v12 =	vsel vm0, v12, v0;
	v13 =	vsel vm1, v13, v0  }
0x8e: {  	v14 =	vsel vm2, v14, v0;
	v16 =	vsel vm3, v16, v0;
	v24 =	vld [tilespmem:s19+$0x11070];
	[tilespmem:s17+$0x14020] =	vst v19;
	v19 =	vnsel vm8, $0x3F800000, v20  }
0x8f: {  	v20 =	vld [tilespmem:s19+$0x10000];
	[tilespmem:s17+$0x14030] =	vst v19;
	v19 =	vnsel vm9, $0x3F800000, v21  }
0x90: {  	v21 =	vld [tilespmem:s19+$0x12070];
	[tilespmem:s17+$0x14040] =	vst v19;
	v19 =	vnsel vm10, $0x3F800000, v22  }
0x91: {  	v22 =	vld [tilespmem:s19+$0x10010];
	[tilespmem:s17+$0x14050] =	vst v19;
	v19 =	vnsel vm4, $0x3F800000, v23  }
0x92: {  	v23 =	vld [tilespmem:s19+$0x10020];
	v26 =	vshll.u32 v25, $0xC;
	v27 =	vshrl.u32 v25, $0xB;
	[tilespmem:s17+$0x14060] =	vst v19  }
0x93: {  	v19 =	vld [tilespmem:s19+$0x10030];
	v26 =	vadd.s32 v24, v26;
	vm0 =	veq.s32 v27, v1;
	vm1 =	vne.s32 v25, v24;
	[tilespmem:s17+$0x13000] =	vst v17  }
0x94: {  	v17 =	vshll.u32 v20, $0xC;
	v24 =	vshrl.u32 v20, $0xB;
	v25 =	vld [tilespmem:s19+$0x10040];
	vm1 =	vmand vm0, vm1;
	[tilespmem:s17+$0x13010] =	vst v18  }
0x95: {  	vm4 =	veq.s32 v24, v1;
	v18 =	vld [tilespmem:s19+$0x10050];
	v24 =	vsel vm0, v26, v0;
	v21 =	vnsel vm1, $0x3F800000, v21;
	[tilespmem:s17+$0x13020] =	vst v15  }
0x96: {  	v15 =	vshll.u32 v22, $0xC;
	v26 =	vshrl.u32 v22, $0xB;
	v27 =	vld [tilespmem:s19+$0x10060];
	[tilespmem:s19+$0x14070] =	vst v21  }
0x97: {  	v21 =	vld [tilespmem:s19+$0x11000];
	vm5 =	veq.s32 v26, v1;
	v26 =	vshll.u32 v23, $0xC;
	v28 =	vshrl.u32 v23, $0xB;
	[tilespmem:s17+$0x13030] =	vst v12  }
0x98: {  	v12 =	vld [tilespmem:s19+$0x11010];
	vm6 =	veq.s32 v28, v1;
	v28 =	vshll.u32 v19, $0xC;
	v29 =	vshrl.u32 v19, $0xB;
	[tilespmem:s17+$0x13040] =	vst v13  }
0x99: {  	v13 =	vld [tilespmem:s19+$0x11020];
	vm0 =	veq.s32 v29, v1;
	v29 =	vshll.u32 v25, $0xC;
	v30 =	vshrl.u32 v25, $0xB;
	[tilespmem:s17+$0x13050] =	vst v14  }
0x9a: {  	v14 =	vld [tilespmem:s19+$0x11030];
	vm1 =	veq.s32 v30, v1;
	v30 =	vshll.u32 v18, $0xC;
	v31 =	vshrl.u32 v18, $0xB;
	[tilespmem:s17+$0x13060] =	vst v16;
	s17 =	smov.u32 s19  }
0x9b: {  	v16 =	vld [tilespmem:s17+$0x11040];
	vm2 =	veq.s32 v31, v1;
	v31 =	vshll.u32 v27, $0xC;
	v32 =	vshrl.u32 v27, $0xB;
	[tilespmem:s17+$0x13070] =	vst v24  }
0x9c: {  	v17 =	vadd.s32 v21, v17;
	vm7 =	vne.s32 v20, v21;
	v21 =	vld [tilespmem:s17+$0x11050];
	vm3 =	veq.s32 v32, v1  }
0x9d: {  	vm12 =	vmand vm4, vm7;
	v15 =	vadd.s32 v12, v15;
	vm7 =	vne.s32 v22, v12;
	v22 =	vld [tilespmem:s17+$0x11060]  }
0x9e: {  	v24 =	vld [tilespmem:s17+$0x12000];
	vm11 =	vmand vm5, vm7;
	v26 =	vadd.s32 v13, v26;
	vm7 =	vne.s32 v23, v13  }
0x9f: {  	v23 =	vld [tilespmem:s17+$0x12010];
	vm7 =	vmand vm6, vm7;
	v12 =	vadd.s32 v14, v28;
	vm8 =	vne.s32 v19, v14  }
.Ltmp1:
0xa0: {  	v19 =	vld [tilespmem:s17+$0x12020];
	vm8 =	vmand vm0, vm8;
	v13 =	vadd.s32 v16, v29;
	vm9 =	vne.s32 v25, v16;
	(pc) =	sbr.rel @p1 .LBB2_5-.Ltmp1, $4  }
0xa1: {  	v20 =	vld [tilespmem:s17+$0x12030];
	vm9 =	vmand vm1, vm9;
	v14 =	vadd.s32 v21, v30;
	vm10 =	vne.s32 v18, v21  }
0xa2: {  	v21 =	vld [tilespmem:s17+$0x12040];
	vm10 =	vmand vm2, vm10;
	v16 =	vadd.s32 v22, v31;
	vm13 =	vne.s32 v27, v22  }
0xa3: {  	v17 =	vsel vm4, v17, v0;
	v18 =	vnsel vm12, $0x3F800000, v24;
	v22 =	vld [tilespmem:s17+$0x12050];
	vm4 =	vmand vm3, vm13  }
0xa4: {  	s19 =	sshra.s32 s9, $0x2;
	s9 =	sadd.s32 $0x200, s9;
	[tilespmem:s17+$0x14000] =	vst v18;
	v18 =	vsel vm5, v15, v0;
	v24 =	vnsel vm11, $0x3F800000, v23;
	v15 =	vsel vm6, v26, v0;
	v23 =	vld [tilespmem:s17+$0x12060]  }
0xa5: {  	v25 =	vld [tilespmem:s19+$0x10070];
	[tilespmem:s17+$0x14010] =	vst v24;
	v19 =	vnsel vm7, $0x3F800000, v19  }
0xa6: {  	v24 =	vld [tilespmem:s19+$0x11070];
	[tilespmem:s17+$0x14020] =	vst v19;
	v52 =	vnsel vm8, $0x3F800000, v20  }
0xa7: {  	v20 =	vld [tilespmem:s19+$0x10000];
	[tilespmem:s17+$0x14030] =	vst v52;
	v53 =	vnsel vm9, $0x3F800000, v21  }
0xa8: {  	v54 =	vld [tilespmem:s19+$0x12070];
	[tilespmem:s17+$0x14040] =	vst v53;
	v55 =	vnsel vm10, $0x3F800000, v22  }
0xa9: {  	v22 =	vld [tilespmem:s19+$0x10010];
	[tilespmem:s17+$0x14050] =	vst v55;
	v56 =	vnsel vm4, $0x3F800000, v23  }
0xaa: {  	v57 =	vld [tilespmem:s19+$0x10020];
	[tilespmem:s17+$0x14060] =	vst v56;
	v26 =	vshrl.u32 v25, $0xB  }
0xab: {  	v19 =	vld [tilespmem:s19+$0x10030];
	[tilespmem:s17+$0x13000] =	vst v17;
	vm10 =	veq.s32 v26, v1;
	vm5 =	vne.s32 v25, v24  }
0xac: {  	v17 =	vld [tilespmem:s19+$0x10040];
	[tilespmem:s17+$0x13010] =	vst v18;
	vm5 =	vmand vm10, vm5  }
0xad: {  	v18 =	vld [tilespmem:s19+$0x10050];
	[tilespmem:s17+$0x13020] =	vst v15;
	v58 =	vnsel vm5, $0x3F800000, v54  }
0xae: {  	v12 =	vsel vm0, v12, v0;
	v60 =	vsel vm1, v13, v0;
	v62 =	vsel vm2, v14, v0;
	v21 =	vld [tilespmem:s19+$0x10060];
	[tilespmem:s19+$0x14070] =	vst v58  }
0xaf: {  	v36 =	vsel vm3, v16, v0;
	v37 =	vshll.u32 v25, $0xC;
	v42 =	vshrl.u32 v20, $0xB;
	v59 =	vld [tilespmem:s19+$0x11000];
	[tilespmem:s17+$0x13030] =	vst v12  }
0xb0: {  	v39 =	vadd.s32 v24, v37;
	vm4 =	veq.s32 v42, v1;
	v27 =	vshrl.u32 v22, $0xB;
	v61 =	vld [tilespmem:s19+$0x11010]  }
0xb1: {  	v12 =	vsel vm10, v39, v0;
	v28 =	vshrl.u32 v57, $0xB;
	vm6 =	veq.s32 v27, v1;
	[tilespmem:s17+$0x13040] =	vst v60  }
0xb2: {  	v23 =	vshll.u32 v57, $0xC;
	v29 =	vshrl.u32 v19, $0xB;
	vm3 =	veq.s32 v28, v1;
	v63 =	vld [tilespmem:s19+$0x11020];
	[tilespmem:s17+$0x13050] =	vst v62  }
0xb3: {  	vm0 =	veq.s32 v29, v1;
	v46 =	vshrl.u32 v17, $0xB;
	v38 =	vld [tilespmem:s19+$0x11030];
	[tilespmem:s17+$0x13060] =	vst v36;
	v47 =	vshrl.u32 v18, $0xB  }
0xb4: {  	vm2 =	veq.s32 v46, v1;
	v44 =	vld [tilespmem:s19+$0x12000];
	vm11 =	vne.s32 v20, v59;
	v20 =	vshll.u32 v20, $0xC  }
0xb5: {  	v30 =	vld [tilespmem:s19+$0x12010];
	v15 =	vadd.s32 v59, v20;
	vm12 =	vne.s32 v22, v61;
	v22 =	vshll.u32 v22, $0xC  }
0xb6: {  	[tilespmem:s19+$0x13070] =	vst v12;
	v45 =	vld [tilespmem:s19+$0x12020];
	vm1 =	veq.s32 v47, v1;
	v15 =	vsel vm4, v15, v0;
	v13 =	vadd.s32 v61, v22  }
0xb7: {  	v31 =	vld [tilespmem:s19+$0x12030];
	v49 =	vshrl.u32 v21, $0xB;
	v14 =	vadd.s32 v63, v23;
	[tilespmem:s19+$0x13000] =	vst v15;
	v13 =	vsel vm6, v13, v0  }
0xb8: {  	v40 =	vld [tilespmem:s19+$0x11040];
	vm5 =	vmand vm4, vm11;
	v59 =	vshll.u32 v18, $0xC;
	v14 =	vsel vm3, v14, v0;
	[tilespmem:s19+$0x13010] =	vst v13  }
0xb9: {  	v41 =	vld [tilespmem:s19+$0x11050];
	vm7 =	vmand vm6, vm12;
	vm13 =	vne.s32 v57, v63;
	v24 =	vnsel vm5, $0x3F800000, v44;
	[tilespmem:s19+$0x13020] =	vst v14  }
0xba: {  	v43 =	vld [tilespmem:s19+$0x11060];
	vm8 =	vmand vm3, vm13;
	vm14 =	vne.s32 v19, v38;
	v50 =	vnsel vm7, $0x3F800000, v30;
	[tilespmem:s19+$0x14000] =	vst v24  }
0xbb: {  	v19 =	vshll.u32 v19, $0xC;
	vm15 =	vmand vm0, vm14;
	v52 =	vnsel vm8, $0x3F800000, v45;
	[tilespmem:s19+$0x14010] =	vst v50  }
0xbc: {  	v48 =	vld [tilespmem:s19+$0x12040];
	v57 =	vshll.u32 v17, $0xC;
	v58 =	vadd.s32 v38, v19;
	[tilespmem:s19+$0x14020] =	vst v52;
	v53 =	vnsel vm15, $0x3F800000, v31  }
0xbd: {  	v32 =	vld [tilespmem:s19+$0x12050];
	v61 =	vshll.u32 v21, $0xC;
	v15 =	vadd.s32 v40, v57;
	v60 =	vsel vm0, v58, v0;
	[tilespmem:s19+$0x14030] =	vst v53  }
0xbe: {  	v51 =	vld [tilespmem:s19+$0x12060];
	vm5 =	veq.s32 v49, v1;
	v12 =	vadd.s32 v41, v59;
	v62 =	vsel vm2, v15, v0;
	[tilespmem:s19+$0x13030] =	vst v60  }
0xbf: {  	vm12 =	vne.s32 v17, v40;
	v14 =	vadd.s32 v43, v61;
	v12 =	vsel vm1, v12, v0;
	[tilespmem:s19+$0x13040] =	vst v62  }
0xc0: {  	vm13 =	vne.s32 v18, v41;
	vm8 =	vmand vm2, vm12;
	v63 =	vsel vm5, v14, v0;
	[tilespmem:s19+$0x13050] =	vst v12  }
0xc1: {  	vm14 =	vne.s32 v21, v43;
	vm7 =	vmand vm1, vm13;
	v54 =	vnsel vm8, $0x3F800000, v48;
	[tilespmem:s19+$0x13060] =	vst v63  }
0xc2: {  	vm15 =	vmand vm5, vm14;
	v55 =	vnsel vm7, $0x3F800000, v32;
	[tilespmem:s19+$0x14040] =	vst v54  }
0xc3: {  	v56 =	vnsel vm15, $0x3F800000, v51;
	[tilespmem:s19+$0x14050] =	vst v55  }
0xc4: {  	s9 =	simm.s32 $0x13000;
	[tilespmem:s19+$0x14060] =	vst v56;
	s19 =	simm.s32 $0x14000  }
0xc5: {  	[hbm4b:s7+s21] =	stream.indirect.scatter [tilespmem:s19], [sflag:$0x2], $0x1, s9, s21, $0xb8;
	[tilespmem:$0x15000] =	vst v63  }
0xc6: {  	s17 =	simm.s32 $0x13080;
	s19 =	simm.s32 $0x14080  }
0xc7: {  	[hbm4b:s7+s21] =	stream.indirect.scatter [tilespmem:s19], [sflag:$0x2], $0x1, s17, s21, $0xb8;
	[tilespmem:$0x15000] =	vst v63  }
0xc8: {  	s17 =	simm.s32 $0x13100;
	s19 =	simm.s32 $0x14100  }
0xc9: {  	[hbm4b:s7+s21] =	stream.indirect.scatter [tilespmem:s19], [sflag:$0x2], $0x1, s17, s21, $0xb8;
	[tilespmem:$0x15000] =	vst v63  }
0xca: {  	s17 =	simm.s32 $0x13180;
	s19 =	simm.s32 $0x14180  }
0xcb: {  	[hbm4b:s7+s21] =	stream.indirect.scatter [tilespmem:s19], [sflag:$0x2], $0x1, s17, s21, $0xb8;
	[tilespmem:$0x15000] =	vst v63  }
0xcc: {  	s17 =	simm.s32 $0x13200;
	s19 =	simm.s32 $0x14200  }
0xcd: {  	[hbm4b:s7+s21] =	stream.indirect.scatter [tilespmem:s19], [sflag:$0x2], $0x1, s17, s21, $0xb8;
	[tilespmem:$0x15000] =	vst v63  }
0xce: {  	s17 =	simm.s32 $0x13280;
	s19 =	simm.s32 $0x14280  }
0xcf: {  	[hbm4b:s7+s21] =	stream.indirect.scatter [tilespmem:s19], [sflag:$0x2], $0x1, s17, s21, $0xb8;
	[tilespmem:$0x15000] =	vst v63  }
0xd0: {  	s17 =	simm.s32 $0x13300;
	s19 =	simm.s32 $0x14300  }
0xd1: {  	[hbm4b:s7+s21] =	stream.indirect.scatter [tilespmem:s19], [sflag:$0x2], $0x1, s17, s21, $0xb8;
	[tilespmem:$0x15000] =	vst v63  }
0xd2: {  	s17 =	simm.s32 $0x13380;
	s19 =	simm.s32 $0x14380  }
0xd3: {  	[hbm4b:s7+s21] =	stream.indirect.scatter [tilespmem:s19], [sflag:$0x2], $0x1, s17, s21, $0xb8;
	[tilespmem:$0x15000] =	vst v63  }
0xd4: {  	s17 =	simm.s32 $0x13400;
	s19 =	simm.s32 $0x14400  }
0xd5: {  	[hbm4b:s7+s21] =	stream.indirect.scatter [tilespmem:s19], [sflag:$0x2], $0x1, s17, s21, $0xb8;
	[tilespmem:$0x15000] =	vst v63  }
0xd6: {  	s17 =	simm.s32 $0x13480;
	s19 =	simm.s32 $0x14480  }
0xd7: {  	[hbm4b:s7+s21] =	stream.indirect.scatter [tilespmem:s19], [sflag:$0x2], $0x1, s17, s21, $0xb8;
	[tilespmem:$0x15000] =	vst v63  }
0xd8: {  	s17 =	simm.s32 $0x13500;
	s19 =	simm.s32 $0x14500  }
0xd9: {  	[hbm4b:s7+s21] =	stream.indirect.scatter [tilespmem:s19], [sflag:$0x2], $0x1, s17, s21, $0xb8;
	[tilespmem:$0x15000] =	vst v63  }
0xda: {  	s17 =	simm.s32 $0x13580;
	s19 =	simm.s32 $0x14580  }
0xdb: {  	[hbm4b:s7+s21] =	stream.indirect.scatter [tilespmem:s19], [sflag:$0x2], $0x1, s17, s21, $0xb8;
	[tilespmem:$0x15000] =	vst v63  }
0xdc: {  	s17 =	simm.s32 $0x13600;
	s19 =	simm.s32 $0x14600  }
0xdd: {  	[hbm4b:s7+s21] =	stream.indirect.scatter [tilespmem:s19], [sflag:$0x2], $0x1, s17, s21, $0xb8;
	[tilespmem:$0x15000] =	vst v63  }
0xde: {  	s17 =	simm.s32 $0x13680;
	s19 =	simm.s32 $0x14680  }
0xdf: {  	[hbm4b:s7+s21] =	stream.indirect.scatter [tilespmem:s19], [sflag:$0x2], $0x1, s17, s21, $0xb8;
	[tilespmem:$0x15000] =	vst v63  }
0xe0: {  	s17 =	simm.s32 $0x13700;
	s19 =	simm.s32 $0x14700  }
0xe1: {  	[hbm4b:s7+s21] =	stream.indirect.scatter [tilespmem:s19], [sflag:$0x2], $0x1, s17, s21, $0xb8;
	[tilespmem:$0x15000] =	vst v63  }
0xe2: {  	s17 =	simm.s32 $0x13780;
	s19 =	simm.s32 $0x14780  }
0xe3: {  	[hbm4b:s7+s21] =	stream.indirect.scatter [tilespmem:s19], [sflag:$0x2], $0x1, s17, s21, $0xb8;
	[tilespmem:$0x15000] =	vst v63  }
0xe4: {  	s17 =	simm.s32 $0x13800;
	s19 =	simm.s32 $0x14800  }
0xe5: {  	[hbm4b:s7+s21] =	stream.indirect.scatter [tilespmem:s19], [sflag:$0x2], $0x1, s17, s21, $0xb8;
	[tilespmem:$0x15000] =	vst v63  }
0xe6: {  	s17 =	simm.s32 $0x13880;
	s19 =	simm.s32 $0x14880  }
0xe7: {  	[hbm4b:s7+s21] =	stream.indirect.scatter [tilespmem:s19], [sflag:$0x2], $0x1, s17, s21, $0xb8;
	[tilespmem:$0x15000] =	vst v63  }
0xe8: {  	s17 =	simm.s32 $0x13900;
	s19 =	simm.s32 $0x14900  }
0xe9: {  	[hbm4b:s7+s21] =	stream.indirect.scatter [tilespmem:s19], [sflag:$0x2], $0x1, s17, s21, $0xb8;
	[tilespmem:$0x15000] =	vst v63  }
0xea: {  	s17 =	simm.s32 $0x13980;
	s19 =	simm.s32 $0x14980  }
0xeb: {  	[hbm4b:s7+s21] =	stream.indirect.scatter [tilespmem:s19], [sflag:$0x2], $0x1, s17, s21, $0xb8;
	[tilespmem:$0x15000] =	vst v63  }
0xec: {  	s17 =	simm.s32 $0x13A00;
	s19 =	simm.s32 $0x14A00  }
0xed: {  	[hbm4b:s7+s21] =	stream.indirect.scatter [tilespmem:s19], [sflag:$0x2], $0x1, s17, s21, $0xb8;
	[tilespmem:$0x15000] =	vst v63  }
0xee: {  	s19 =	simm.s32 $0x13A80  }
0xef: {  	[hbm4b:s7+s21] =	stream.indirect.scatter [tilespmem:s6], [sflag:$0x2], $0x1, s19, s21, $0xb8;
	[tilespmem:$0x15000] =	vst v63  }
0xf0: {  	_ = 	snop  }
0xf1: {  	[hbm4b:s7+s21] =	stream.indirect.scatter [tilespmem:s1], [sflag:$0x2], $0x1, s22, s21, $0xb8;
	[tilespmem:$0x15000] =	vst v63  }
0xf2: {  	_ = 	snop  }
0xf3: {  	[hbm4b:s7+s21] =	stream.indirect.scatter [tilespmem:s2], [sflag:$0x2], $0x1, s23, s21, $0xb8;
	[tilespmem:$0x15000] =	vst v63  }
0xf4: {  	_ = 	snop  }
0xf5: {  	[hbm4b:s7+s21] =	stream.indirect.scatter [tilespmem:s25], [sflag:$0x2], $0x1, s3, s21, $0xb8;
	[tilespmem:$0x15000] =	vst v63  }
0xf6: {  	_ = 	snop  }
0xf7: {  	[hbm4b:s7+s21] =	stream.indirect.scatter [tilespmem:s28], [sflag:$0x2], $0x1, s26, s21, $0xb8;
	[tilespmem:$0x15000] =	vst v63  }
0xf8: {  	_ = 	snop  }
0xf9: {  	[hbm4b:s7+s21] =	stream.indirect.scatter [tilespmem:s30], [sflag:$0x2], $0x1, s29, s21, $0xb8;
	[tilespmem:$0x15000] =	vst v63  }
0xfa: {  	_ = 	snop  }
0xfb: {  	[hbm4b:s7+s21] =	stream.indirect.scatter [tilespmem:s0], [sflag:$0x2], $0x1, s31, s21, $0xb8;
	[tilespmem:$0x15000] =	vst v63  }
0xfc: {  	_ = 	snop  }
0xfd: {  	[hbm4b:s7+s21] =	stream.indirect.scatter [tilespmem:s4], [sflag:$0x2], $0x1, s5, s21, $0xb8;
	[tilespmem:$0x15000] =	vst v63  }
0xfe: {  	_ = 	snop  }
0xff: {  	[hbm4b:s7+s21] =	stream.indirect.scatter [tilespmem:s10], [sflag:$0x2], $0x1, s8, s21, $0xb8;
	[tilespmem:$0x15000] =	vst v63  }
0x100: {  	_ = 	snop  }
0x101: {  	[hbm4b:s7+s21] =	stream.indirect.scatter [tilespmem:s12], [sflag:$0x2], $0x1, s11, s21, $0xb8;
	[tilespmem:$0x15000] =	vst v63  }
0x102: {  	_ = 	snop  }
0x103: {  	[hbm4b:s7+s21] =	stream.indirect.scatter [tilespmem:s14], [sflag:$0x2], $0x1, s13, s21, $0xb8;
	[tilespmem:$0x15000] =	vst v63  }
0x104: {  	_ =	swait.ge [sflag:s24], $0x80  }
0x105: {  	[sflag:s24] =	ssyncset.done $0x0  }
0x106: {  	[sflag:s24] =	ssyncadd.s32 $0xFFFFFF80  }
0x107: {  	_ =	swait.ge [sflag:s24], $0x80  }
0x108: {  	[sflag:s24] =	ssyncset.done $0x0  }
0x109: {  	[sflag:s24] =	ssyncadd.s32 $0xFFFFFF80  }
0x10a: {  	_ =	swait.ge [sflag:s24], $0x80  }
0x10b: {  	[sflag:s24] =	ssyncset.done $0x0  }
0x10c: {  	[sflag:s24] =	ssyncadd.s32 $0xFFFFFF80  }
0x10d: {  	_ =	swait.ge [sflag:s24], $0x80  }
0x10e: {  	[sflag:s24] =	ssyncset.done $0x0  }
0x10f: {  	[sflag:s24] =	ssyncadd.s32 $0xFFFFFF80  }
0x110: {  	_ =	swait.ge [sflag:s24], $0x80  }
0x111: {  	[sflag:s24] =	ssyncset.done $0x0  }
0x112: {  	[sflag:s24] =	ssyncadd.s32 $0xFFFFFF80  }
0x113: {  	_ =	swait.ge [sflag:s24], $0x80  }
0x114: {  	[sflag:s24] =	ssyncset.done $0x0  }
0x115: {  	[sflag:s24] =	ssyncadd.s32 $0xFFFFFF80  }
0x116: {  	_ =	swait.ge [sflag:s24], $0x80  }
0x117: {  	[sflag:s24] =	ssyncset.done $0x0  }
0x118: {  	[sflag:s24] =	ssyncadd.s32 $0xFFFFFF80  }
0x119: {  	_ =	swait.ge [sflag:s24], $0x80  }
0x11a: {  	[sflag:s24] =	ssyncset.done $0x0  }
0x11b: {  	[sflag:s24] =	ssyncadd.s32 $0xFFFFFF80  }
0x11c: {  	_ =	swait.ge [sflag:s24], $0x80  }
0x11d: {  	[sflag:s24] =	ssyncset.done $0x0  }
0x11e: {  	[sflag:s24] =	ssyncadd.s32 $0xFFFFFF80  }
0x11f: {  	_ =	swait.ge [sflag:s24], $0x80  }
0x120: {  	[sflag:s24] =	ssyncset.done $0x0  }
0x121: {  	[sflag:s24] =	ssyncadd.s32 $0xFFFFFF80  }
0x122: {  	_ =	swait.ge [sflag:s24], $0x80  }
0x123: {  	[sflag:s24] =	ssyncset.done $0x0  }
0x124: {  	[sflag:s24] =	ssyncadd.s32 $0xFFFFFF80  }
0x125: {  	_ =	swait.ge [sflag:s24], $0x80  }
0x126: {  	[sflag:s24] =	ssyncset.done $0x0  }
0x127: {  	[sflag:s24] =	ssyncadd.s32 $0xFFFFFF80  }
0x128: {  	_ =	swait.ge [sflag:s24], $0x80  }
0x129: {  	[sflag:s24] =	ssyncset.done $0x0  }
0x12a: {  	[sflag:s24] =	ssyncadd.s32 $0xFFFFFF80  }
0x12b: {  	_ =	swait.ge [sflag:s24], $0x80  }
0x12c: {  	[sflag:s24] =	ssyncset.done $0x0  }
0x12d: {  	[sflag:s24] =	ssyncadd.s32 $0xFFFFFF80  }
0x12e: {  	_ =	swait.ge [sflag:s24], $0x80  }
0x12f: {  	[sflag:s24] =	ssyncset.done $0x0  }
0x130: {  	[sflag:s24] =	ssyncadd.s32 $0xFFFFFF80  }
0x131: {  	_ =	swait.ge [sflag:s24], $0x80  }
0x132: {  	[sflag:s24] =	ssyncset.done $0x0  }
0x133: {  	[sflag:s24] =	ssyncadd.s32 $0xFFFFFF80  }
0x134: {  	_ =	swait.ge [sflag:s24], $0x80  }
0x135: {  	[sflag:s24] =	ssyncset.done $0x0  }
0x136: {  	[sflag:s24] =	ssyncadd.s32 $0xFFFFFF80  }
0x137: {  	_ =	swait.ge [sflag:s24], $0x80  }
0x138: {  	[sflag:s24] =	ssyncset.done $0x0  }
0x139: {  	[sflag:s24] =	ssyncadd.s32 $0xFFFFFF80  }
0x13a: {  	_ =	swait.ge [sflag:s24], $0x80  }
0x13b: {  	[sflag:s24] =	ssyncset.done $0x0  }
0x13c: {  	[sflag:s24] =	ssyncadd.s32 $0xFFFFFF80  }
0x13d: {  	_ =	swait.ge [sflag:s24], $0x80  }
0x13e: {  	[sflag:s24] =	ssyncset.done $0x0  }
0x13f: {  	[sflag:s24] =	ssyncadd.s32 $0xFFFFFF80  }
0x140: {  	_ =	swait.ge [sflag:s24], $0x80  }
0x141: {  	[sflag:s24] =	ssyncset.done $0x0  }
0x142: {  	[sflag:s24] =	ssyncadd.s32 $0xFFFFFF80  }
0x143: {  	_ =	swait.ge [sflag:s24], $0x80  }
0x144: {  	[sflag:s24] =	ssyncset.done $0x0  }
0x145: {  	[sflag:s24] =	ssyncadd.s32 $0xFFFFFF80  }
0x146: {  	_ =	swait.ge [sflag:s24], $0x80  }
0x147: {  	[sflag:s24] =	ssyncset.done $0x0  }
0x148: {  	[sflag:s24] =	ssyncadd.s32 $0xFFFFFF80  }
0x149: {  	_ =	swait.ge [sflag:s24], $0x80  }
0x14a: {  	[sflag:s24] =	ssyncset.done $0x0  }
0x14b: {  	[sflag:s24] =	ssyncadd.s32 $0xFFFFFF80  }
0x14c: {  	_ =	swait.ge [sflag:s24], $0x80  }
0x14d: {  	[sflag:s24] =	ssyncset.done $0x0  }
0x14e: {  	[sflag:s24] =	ssyncadd.s32 $0xFFFFFF80  }
0x14f: {  	_ =	swait.ge [sflag:s24], $0x80  }
0x150: {  	[sflag:s24] =	ssyncset.done $0x0  }
0x151: {  	[sflag:s24] =	ssyncadd.s32 $0xFFFFFF80  }
0x152: {  	_ =	swait.ge [sflag:s24], $0x80  }
0x153: {  	[sflag:s24] =	ssyncset.done $0x0  }
0x154: {  	[sflag:s24] =	ssyncadd.s32 $0xFFFFFF80  }
0x155: {  	_ =	swait.ge [sflag:s24], $0x80  }
0x156: {  	[sflag:s24] =	ssyncset.done $0x0  }
0x157: {  	[sflag:s24] =	ssyncadd.s32 $0xFFFFFF80  }
0x158: {  	_ =	swait.ge [sflag:s24], $0x80  }
0x159: {  	[sflag:s24] =	ssyncset.done $0x0  }
0x15a: {  	[sflag:s24] =	ssyncadd.s32 $0xFFFFFF80  }
0x15b: {  	_ =	swait.ge [sflag:s24], $0x80  }
0x15c: {  	[sflag:s24] =	ssyncset.done $0x0  }
0x15d: {  	s16 =	sadd.s32 $0x1, s16;
	[sflag:s24] =	ssyncadd.s32 $0xFFFFFF80  }
0x15e: {  	p1 =	sne.s32 s16, $0x81;
	_ =	swait.ge [sflag:s24], $0x80  }
.Ltmp2:
0x15f: {  	[sflag:s24] =	ssyncset.done $0x0;
	(pc) =	sbr.rel @p1 .LBB2_4-.Ltmp2, $4  }
0x160: {  	[sflag:s24] =	ssyncadd.s32 $0xFFFFFF80  }
0x161: {  	_ =	swait.ge [sflag:s24], $0x80  }
0x162: {  	[sflag:s24] =	ssyncset.done $0x0  }
0x163: {  	[sflag:s24] =	ssyncadd.s32 $0xFFFFFF80  }
0x164: {  	s9 =	simm.s32 @!p0 $0x0;
	s15 =	simm.s32 @!p0 $0x10000;
	s16 =	rddreg [dreg:$0x3]  }
0x165: {  	[tilespmem:s15], [sflag:$0x3] =	stream.linear.gather @!p0 [hbm4b:s16+s9], $0x10, $0x38;
	[tilespmem:$0x15000] =	vst v63  }
0x166: {  	s15 =	simm.s32 @!p0 $0x3  }
0x167: {  	_ =	swait.ge @!p0 [sflag:s15], $0x10  }
0x168: {  	[sflag:s15] =	ssyncset.done @!p0 $0x0  }
0x169: {  	s16 =	simm.s32 @!p0 $0x11000;
	s17 =	rddreg [dreg:$0x7];
	[sflag:s15] =	ssyncadd.s32 @!p0 $0xFFFFFFF0  }
0x16a: {  	[tilespmem:s16], [sflag:$0x3] =	stream.linear.gather @!p0 [hbm4b:s17+s9], $0x10, $0x38;
	[tilespmem:$0x15000] =	vst v63  }
0x16b: {  	_ =	swait.ge @!p0 [sflag:s15], $0x10  }
0x16c: {  	[sflag:s15] =	ssyncset.done @!p0 $0x0  }
0x16d: {  	s16 =	simm.s32 @!p0 $0x12000;
	s17 =	rddreg [dreg:$0x9];
	[sflag:s15] =	ssyncadd.s32 @!p0 $0xFFFFFFF0  }
0x16e: {  	[tilespmem:s16], [sflag:$0x3] =	stream.linear.gather @!p0 [hbm4b:s17+s9], $0x10, $0x38;
	[tilespmem:$0x15000] =	vst v63  }
0x16f: {  	_ =	swait.ge @!p0 [sflag:s15], $0x10  }
0x170: {  	[sflag:s15] =	ssyncset.done @!p0 $0x0  }
0x171: {  	[sflag:s15] =	ssyncadd.s32 @!p0 $0xFFFFFFF0  }
0x172: {  	v12 =	vld @!p0 [tilespmem:$0x10000]  }
0x173: {  	v13 =	vld @!p0 [tilespmem:$0x11000];
	[tilespmem:$0x13010] =	vst @!p0 v0  }
0x174: {  	[tilespmem:$0x13020] =	vst @!p0 v0  }
0x175: {  	v14 =	vld @!p0 [tilespmem:$0x12000];
	[tilespmem:$0x13030] =	vst @!p0 v0  }
0x176: {  	[tilespmem:$0x13040] =	vst @!p0 v0  }
0x177: {  	[tilespmem:$0x13050] =	vst @!p0 v0;
	v15 =	vshll.u32 @!p0 v12, $0xC;
	v16 =	vshrl.u32 @!p0 v12, $0xB  }
0x178: {  	[tilespmem:$0x13060] =	vst @!p0 v0;
	vm1 =	vne.s32 @!p0 v12, v13;
	v15 =	vadd.s32 @!p0 v13, v15;
	vm0 =	veq.s32 @!p0 v16, v1  }
0x179: {  	[tilespmem:$0x13070] =	vst @!p0 v0;
	v12 =	vsel @!p0 vm0, v15, v0;
	vm0 =	vmand @!p0 vm0, vm1  }
0x17a: {  	[tilespmem:$0x13000] =	vst @!p0 v12;
	v12 =	vnsel @!p0 vm0, $0x3F800000, v14  }
0x17b: {  	[tilespmem:$0x14000] =	vst @!p0 v12;
	v12 =	vimm.f32 @!p0 $1.000000000e+00  }
0x17c: {  	[tilespmem:$0x14010] =	vst @!p0 v12  }
0x17d: {  	[tilespmem:$0x14020] =	vst @!p0 v12  }
0x17e: {  	[tilespmem:$0x14030] =	vst @!p0 v12  }
0x17f: {  	[tilespmem:$0x14040] =	vst @!p0 v12  }
0x180: {  	[tilespmem:$0x14050] =	vst @!p0 v12  }
0x181: {  	[tilespmem:$0x14060] =	vst @!p0 v12  }
0x182: {  	s9 =	simm.s32 @!p0 $0x80;
	s16 =	simm.s32 @!p0 $0x14000;
	s15 =	simm.s32 @!p0 $0x13000;
	[tilespmem:$0x14070] =	vst @!p0 v12  }
0x183: {  	[hbm4b:s7+s9] =	stream.indirect.scatter @!p0 [tilespmem:s16], [sflag:$0x2], $0x1, s15, s9, $0xb8;
	[tilespmem:$0x15000] =	vst v63  }
0x184: {  	s9 =	simm.s32 @!p0 $0x2  }
0x185: {  	_ =	swait.ge @!p0 [sflag:s9], $0x80  }
0x186: {  	s17 =	rddreg [dreg:$0x6]  }
0x187: {  	s19 =	rddreg [dreg:$0x11];
	s15 =	sadd.s32 $0x1, s17  }
0x188: {  	p1 =	sne.s32 s15, s19  }
.Ltmp3:
0x189: {  	_ = 	snop;
	(pc) =	sbr.rel @p1 .LBB2_1-.Ltmp3, $3  }
0x18a: {  	_ =	sdelay $0x1  }
0x18b: {  	[sflag:s9] =	ssyncset.done @!p0 $0x0  }
0x18c: {  	[sflag:s9] =	ssyncadd.s32 @!p0 $0xFFFFFF80  }
0x18d: {  	_ =	sfence.sel $0x180000  }
0x18e: {  	[bflag:$0x0] =	sbarrier.arrive $0xFFFF  }
0x18f: {  	_ =	strace $0x90000047  }
0x190: {  	s0 =	stileid.u32;
	[bflag:$0x2] =	sbarrier.arrive $0xFFFF  }
0x191: {  	p0 =	sne.s32 s0, $0x0;
	s0 =	rddreg [dreg:$0x5]  }
0x192: {  	s0 =	sadd.s32 @!p0 $0x100000, s0  }
0x193: {  	[sflag:s0] =	ssyncadd.tile.s32 @!p0 $0x1;
	_ =	shalt  }
.Lfunc_end2:
_tile_overlayer_lowered:
.L_overlay_start_2:
0x194: {  	(tag) =	ssettag $0x2  }
0x195: {  	s0 =	rddreg [dreg:$0x0];
	s2 =	stileid.u32  }
0x196: {  	s1 =	rddreg [dreg:$0x1];
	p0 =	sne.s32 s2, $0x0  }
0x197: {  	s3 =	rddreg [dreg:$0x2];
	[bflag:$0x3] =	sbarrier.arrive $0xFFFF;
	s2 =	simm.s32 @!p0 $0x1C03  }
0x198: {  	[timem:s3], [sflag:s2] =	dma.local @!p0 [hbm:s0], s1  }
0x199: {  	s0 =	simm.s32 @!p0 $0x3  }
0x19a: {  	_ =	swait.ge @!p0 [sflag:s0], s1  }
0x19b: {  	s1 =	ssub.s32 @!p0 $0x0, s1;
	[sflag:s0] =	ssyncset.done @!p0 $0x0  }
0x19c: {  	[sflag:s0] =	ssyncadd.s32 @!p0 s1  }
0x19d: {  	[bflag:$0x3] =	sbarrier.arrive $0xFFFF  }
0x19e: {  	_ =	shalt  }

</sc_bundles>
